<compile_context>
chip_gen: v7x
topology: tpu7x:2x2x1
jax: 0.10.2.dev20260603
libtpu: 0.0.44.dev20260713+nightly
codegen_flags: <defaults>
</compile_context>

<pallas_src>
import functools

import jax
import jax.numpy as jnp
from jax import lax
from jax.experimental import pallas as pl
from jax.experimental.pallas import tpu as pltpu
from jax.experimental.pallas import tpu_sc as plsc

_NC = 2
_NS = 16
_NW = _NC * _NS
_C = 128


def _mesh():
    return plsc.VectorSubcoreMesh(core_axis_name="c", subcore_axis_name="s")




def _make_deg_fn(n_acc, k):
    stripe = n_acc // _NS

    @functools.partial(
        pl.kernel,
        out_type=jax.ShapeDtypeStruct((_NC * n_acc,), jnp.float32),
        mesh=_mesh(),
        scratch_types=[
            pltpu.VMEM((k, _C), jnp.int32),
            pltpu.VMEM((_C,), jnp.float32),
            pltpu.VMEM_SHARED((n_acc,), jnp.float32),
        ],
    )
    def deg_fn(dst_hbm, zeros_hbm, out_hbm, didx, ones_v, shared):
        cid = lax.axis_index("c")
        sid = lax.axis_index("s")
        w = cid * _NS + sid
        r0 = pl.multiple_of(sid * stripe, stripe)
        pltpu.sync_copy(dst_hbm.at[w], didx)
        for i in range(_C // 16):
            ones_v[pl.ds(i * 16, 16)] = jnp.ones((16,), jnp.float32)
        pltpu.sync_copy(zeros_hbm.at[pl.ds(r0, stripe)],
                        shared.at[pl.ds(r0, stripe)])
        plsc.subcore_barrier()

        def body(j, carry):
            pltpu.sync_copy(ones_v, shared.at[didx.at[j]], add=True)
            return carry

        lax.fori_loop(0, k, body, 0)
        plsc.subcore_barrier()
        ofs = pl.multiple_of(cid * n_acc + r0, stripe)
        pltpu.sync_copy(shared.at[pl.ds(r0, stripe)],
                        out_hbm.at[pl.ds(ofs, stripe)])

    return deg_fn


def _make_scatter_fn(n_acc, k, hid):
    stripe = n_acc // _NS

    @functools.partial(
        pl.kernel,
        out_type=jax.ShapeDtypeStruct((_NC, n_acc, hid), jnp.float32),
        mesh=_mesh(),
        scratch_types=[
            pltpu.VMEM((k, _C), jnp.int32),
            pltpu.VMEM((k, _C), jnp.int32),
            pltpu.VMEM((_C, hid), jnp.float32),
            pltpu.VMEM_SHARED((n_acc, hid), jnp.float32),
            pltpu.SemaphoreType.DMA,
        ],
        compiler_params=pltpu.CompilerParams(use_tc_tiling_on_sc=False),
    )
    def scatter_fn(src_hbm, dst_hbm, table_hbm, zeros_hbm, out_hbm,
                   sidx, didx, rows, shared, sem):
        cid = lax.axis_index("c")
        sid = lax.axis_index("s")
        w = cid * _NS + sid
        r0 = pl.multiple_of(sid * stripe, stripe)
        pltpu.sync_copy(zeros_hbm.at[pl.ds(r0, stripe)],
                        shared.at[pl.ds(r0, stripe)])
        pltpu.sync_copy(src_hbm.at[w], sidx)
        pltpu.sync_copy(dst_hbm.at[w], didx)
        plsc.subcore_barrier()

        def body(j, carry):
            pltpu.async_copy(table_hbm.at[sidx.at[j]], rows, sem).wait()
            pltpu.sync_copy(rows, shared.at[didx.at[j]], add=True)
            return carry

        lax.fori_loop(0, k, body, 0)
        plsc.subcore_barrier()
        pltpu.sync_copy(shared.at[pl.ds(r0, stripe)],
                        out_hbm.at[cid, pl.ds(r0, stripe)])

    return scatter_fn




def _dinv_body(c0_ref, c1_ref, dinv_ref):
    cnt = c0_ref[...] + c1_ref[...]
    dinv_ref[...] = lax.rsqrt(cnt + 1.0)


def _layer1_body(x_ref, w1_ref, dinv_ref, g1_ref):
    h = jnp.dot(x_ref[...], w1_ref[...], preferred_element_type=jnp.float32)
    g1_ref[...] = h * dinv_ref[...]


def _mid_body(p0_ref, p1_ref, g1_ref, dinv_ref, b1_ref, g2_ref):
    agg = (p0_ref[...] + p1_ref[...] + g1_ref[...]) * dinv_ref[...]
    h2 = jnp.maximum(agg + b1_ref[...], 0.0)
    g2_ref[...] = h2 * dinv_ref[...]


def _out_body(p0_ref, p1_ref, g2_ref, dinv_ref, w2_ref, b2_ref, out_ref):
    agg = (p0_ref[...] + p1_ref[...] + g2_ref[...]) * dinv_ref[...]
    out_ref[...] = (
        jnp.dot(agg, w2_ref[...], preferred_element_type=jnp.float32)
        + b2_ref[...]
    )


def _tc(body, out_shape, *args):
    return pl.pallas_call(body, out_shape=out_shape)(*args)




def kernel(x, edge_index, W1, b1, W2, b2):
    f32 = jnp.float32
    n, _ = x.shape
    hid = W1.shape[1]
    d_out = W2.shape[1]
    e = edge_index.shape[1]

    n_acc = (n // (2 * _C) + 1) * 2 * _C
    k = (e + _NW * _C - 1) // (_NW * _C)
    e_pad = _NW * _C * k
    pad_n = e_pad - e

    src = edge_index[0]
    dst = edge_index[1]
    if pad_n:
        ar = jnp.arange(pad_n, dtype=edge_index.dtype)
        src = jnp.concatenate([src, ar % n])
        dst = jnp.concatenate([dst, n + ar % (n_acc - n)])
    src_g = src.reshape(_NW, k, _C)
    dst_g = dst.reshape(_NW, k, _C)

    zeros1 = jnp.zeros((n_acc,), f32)
    zeros2 = jnp.zeros((n_acc, hid), f32)

    deg_fn = _make_deg_fn(n_acc, k)
    scat_fn = _make_scatter_fn(n_acc, k, hid)

    cnt = deg_fn(dst_g, zeros1).reshape(_NC, n_acc)
    dinv = _tc(_dinv_body, jax.ShapeDtypeStruct((1, n), f32),
               cnt[0:1, :n], cnt[1:2, :n])
    dinv_c = dinv.reshape(n, 1)

    g1 = _tc(_layer1_body, jax.ShapeDtypeStruct((n, hid), f32),
             x, W1, dinv_c)
    p1 = scat_fn(src_g, dst_g, g1, zeros2)
    g2 = _tc(_mid_body, jax.ShapeDtypeStruct((n, hid), f32),
             p1[0, :n], p1[1, :n], g1, dinv_c, b1.reshape(1, hid))
    p2 = scat_fn(src_g, dst_g, g2, zeros2)
    out = _tc(_out_body, jax.ShapeDtypeStruct((n, d_out), f32),
              p2[0, :n], p2[1, :n], g2, dinv_c, W2, b2.reshape(1, d_out))
    return out

# --- scband reference (transcript-rebuilt; emitter-appended) ---
"""Pipeline reference for scband-gnn-20392504721510 (READ-ONLY COPY).

The authoritative reference and input builder live on the scoring server;
editing this copy changes nothing except your own understanding.
"""

import jax, jax.numpy as jnp
import numpy as np

N = 10000
E = 320000
D_IN = 128
HID = 16
D_OUT = 64


def setup_inputs(seed: int = 0) -> dict:
    key = jax.random.key(seed)
    k1, k2, k3, k4, k5, k6 = jax.random.split(key, 6)
    x = jax.random.normal(k1, (N, D_IN), dtype=jnp.float32)
    edge_index = jax.random.randint(k2, (2, E), 0, N, dtype=jnp.int32)
    # GCNConv learned params (PyG stores weight as [out,in]; here stored as [in,out])
    W1 = jax.random.normal(k3, (D_IN, HID), dtype=jnp.float32) * (1.0 / np.sqrt(D_IN))
    b1 = jnp.zeros((HID,), dtype=jnp.float32)
    W2 = jax.random.normal(k4, (HID, D_OUT), dtype=jnp.float32) * (1.0 / np.sqrt(HID))
    b2 = jnp.zeros((D_OUT,), dtype=jnp.float32)
    return {"x": x, "edge_index": edge_index, "W1": W1, "b1": b1, "W2": W2, "b2": b2}


def _gcn_conv(x, edge_index, W, b):
    n = x.shape[0]
    loop = jnp.arange(n, dtype=edge_index.dtype)
    src = jnp.concatenate([edge_index[0], loop])
    dst = jnp.concatenate([edge_index[1], loop])
    # symmetric normalization with self-loops (edge_weight = 1)
    deg = jnp.zeros((n,), dtype=x.dtype).at[dst].add(1.0)
    deg_inv_sqrt = jnp.where(deg > 0, jax.lax.rsqrt(jnp.maximum(deg, 1e-12)), 0.0)
    norm = deg_inv_sqrt[src] * deg_inv_sqrt[dst]
    h = x @ W
    msg = h[src] * norm[:, None]
    out = jax.ops.segment_sum(msg, dst, num_segments=n)
    return out + b


def reference(x, edge_index, W1, b1, W2, b2):
    h = _gcn_conv(x, edge_index, W1, b1)
    h = jax.nn.relu(h)
    # dropout(p=0.5, training=False) is identity in eval mode
    out = _gcn_conv(h, edge_index, W2, b2)
    return out

if __name__ == "__main__":
    import jax
    _d = setup_inputs()
    print(jax.jit(kernel)(*tuple(_d.values())))

</pallas_src>

<mosaic_0001>
#map = affine_map<(d0, d1) -> (0, 0, 0)>
#map1 = affine_map<(d0, d1) -> (0)>
module attributes {stable_mosaic.version = 14 : i64} {
  func.func @deg_fn(%arg0: i32, %arg1: i32, %arg2: memref<32x79x128xi32, #tpu.memory_space<hbm>>, %arg3: memref<10240xf32, #tpu.memory_space<hbm>>, %arg4: memref<20480xf32, #tpu.memory_space<hbm>>, %arg5: memref<79x128xi32, #tpu.memory_space<vmem>>, %arg6: memref<128xf32, #tpu.memory_space<vmem>>, %arg7: memref<10240xf32, #tpu.memory_space<vmem_shared>>) attributes {dimension_semantics = [#tpu.dimension_semantics<core_parallel>, #tpu.dimension_semantics<subcore_parallel>], iteration_bounds = array<i64: 2, 16>, scalar_prefetch = 0 : i64, scratch_operands = 3 : i64, tpu.core_type = #tpu.core_type<sc_vector_subcore>, window_params = [{transform_indices = #map}, {transform_indices = #map1}, {transform_indices = #map1}]} {
    %mul3A = arith.constant 16 : i32
    %mul3A_0 = arith.muli %arg0, %mul3A : i32
    %add3A = arith.addi %mul3A_0, %arg1 : i32
    %mul3A_1 = arith.constant 640 : i32
    %mul3A_2 = arith.muli %arg1, %mul3A_1 : i32
    %multiple_of3A = tpu.assume_multiple %mul3A_2, 640 : i32
    "tpu.region"() ({
      %run_scoped3A = tpu.sem_alloc : memref<!tpu.dma_semaphore, #tpu.memory_space<semaphore_mem>>
      %dma_start3A = arith.constant 0 : i32
      %dma_start3A_59 = arith.constant 0 : i32
      %dma_start3A_60 = tpu.memref_slice %arg2[%add3A, %dma_start3A, %dma_start3A_59] : memref<32x79x128xi32, #tpu.memory_space<hbm>> -> memref<1x79x128xi32, #tpu.memory_space<hbm>>
      %dma_start3A_61 = tpu.memref_squeeze %dma_start3A_60 : memref<1x79x128xi32, #tpu.memory_space<hbm>> -> memref<79x128xi32, #tpu.memory_space<hbm>>
      %dma_start3A_62 = arith.constant 0 : i32
      %dma_start3A_63 = arith.constant 0 : i32
      %dma_start3A_64 = tpu.memref_slice %arg2[%add3A, %dma_start3A_62, %dma_start3A_63] : memref<32x79x128xi32, #tpu.memory_space<hbm>> -> memref<1x79x128xi32, #tpu.memory_space<hbm>>
      %dma_start3A_65 = tpu.memref_squeeze %dma_start3A_64 : memref<1x79x128xi32, #tpu.memory_space<hbm>> -> memref<79x128xi32, #tpu.memory_space<hbm>>
      tpu.enqueue_dma source(%dma_start3A_65 : memref<79x128xi32, #tpu.memory_space<hbm>>) target(%arg5 : memref<79x128xi32, #tpu.memory_space<vmem>>) target_semaphore(%run_scoped3A : memref<!tpu.dma_semaphore, #tpu.memory_space<semaphore_mem>>)
      %dma_wait3A = arith.constant 0 : i32
      %dma_wait3A_66 = arith.constant 0 : i32
      %dma_wait3A_67 = tpu.memref_slice %arg2[%add3A, %dma_wait3A, %dma_wait3A_66] : memref<32x79x128xi32, #tpu.memory_space<hbm>> -> memref<1x79x128xi32, #tpu.memory_space<hbm>>
      %dma_wait3A_68 = tpu.memref_squeeze %dma_wait3A_67 : memref<1x79x128xi32, #tpu.memory_space<hbm>> -> memref<79x128xi32, #tpu.memory_space<hbm>>
      %dma_wait3A_69 = arith.constant 0 : i32
      %dma_wait3A_70 = arith.constant 0 : i32
      %dma_wait3A_71 = tpu.memref_slice %arg2[%add3A, %dma_wait3A_69, %dma_wait3A_70] : memref<32x79x128xi32, #tpu.memory_space<hbm>> -> memref<1x79x128xi32, #tpu.memory_space<hbm>>
      %dma_wait3A_72 = tpu.memref_squeeze %dma_wait3A_71 : memref<1x79x128xi32, #tpu.memory_space<hbm>> -> memref<79x128xi32, #tpu.memory_space<hbm>>
      tpu.wait_dma2 semaphore(%run_scoped3A : memref<!tpu.dma_semaphore, #tpu.memory_space<semaphore_mem>>) src(%dma_wait3A_72 : memref<79x128xi32, #tpu.memory_space<hbm>>) dst(%arg5 : memref<79x128xi32, #tpu.memory_space<vmem>>)
      tpu.yield
    }) : () -> ()
    %broadcast_in_dim3A = arith.constant 1.000000e+00 : f32
    %broadcast_in_dim3A_3 = vector.broadcast %broadcast_in_dim3A : f32 to vector<16xf32>
    %swap3A = arith.constant 0 : index
    %swap3A_4 = tpu.vector_load %arg6[%swap3A] {strides = array<i32>} : memref<128xf32, #tpu.memory_space<vmem>>, vector<16xf32>,
    %swap3A_5 = vector.shape_cast %swap3A_4 : vector<16xf32> to vector<16xf32>
    %swap3A_6 = vector.shape_cast %broadcast_in_dim3A_3 : vector<16xf32> to vector<16xf32>
    tpu.vector_store %arg6[%swap3A], %swap3A_6 {strides = array<i32>} : memref<128xf32, #tpu.memory_space<vmem>>, vector<16xf32>,
    %broadcast_in_dim3A_7 = arith.constant 1.000000e+00 : f32
    %broadcast_in_dim3A_8 = vector.broadcast %broadcast_in_dim3A_7 : f32 to vector<16xf32>
    %swap3A_9 = arith.constant 16 : index
    %swap3A_10 = tpu.vector_load %arg6[%swap3A_9] {strides = array<i32>} : memref<128xf32, #tpu.memory_space<vmem>>, vector<16xf32>,
    %swap3A_11 = vector.shape_cast %swap3A_10 : vector<16xf32> to vector<16xf32>
    %swap3A_12 = vector.shape_cast %broadcast_in_dim3A_8 : vector<16xf32> to vector<16xf32>
    tpu.vector_store %arg6[%swap3A_9], %swap3A_12 {strides = array<i32>} : memref<128xf32, #tpu.memory_space<vmem>>, vector<16xf32>,
    %broadcast_in_dim3A_13 = arith.constant 1.000000e+00 : f32
    %broadcast_in_dim3A_14 = vector.broadcast %broadcast_in_dim3A_13 : f32 to vector<16xf32>
    %swap3A_15 = arith.constant 32 : index
    %swap3A_16 = tpu.vector_load %arg6[%swap3A_15] {strides = array<i32>} : memref<128xf32, #tpu.memory_space<vmem>>, vector<16xf32>,
    %swap3A_17 = vector.shape_cast %swap3A_16 : vector<16xf32> to vector<16xf32>
    %swap3A_18 = vector.shape_cast %broadcast_in_dim3A_14 : vector<16xf32> to vector<16xf32>
    tpu.vector_store %arg6[%swap3A_15], %swap3A_18 {strides = array<i32>} : memref<128xf32, #tpu.memory_space<vmem>>, vector<16xf32>,
    %broadcast_in_dim3A_19 = arith.constant 1.000000e+00 : f32
    %broadcast_in_dim3A_20 = vector.broadcast %broadcast_in_dim3A_19 : f32 to vector<16xf32>
    %swap3A_21 = arith.constant 48 : index
    %swap3A_22 = tpu.vector_load %arg6[%swap3A_21] {strides = array<i32>} : memref<128xf32, #tpu.memory_space<vmem>>, vector<16xf32>,
    %swap3A_23 = vector.shape_cast %swap3A_22 : vector<16xf32> to vector<16xf32>
    %swap3A_24 = vector.shape_cast %broadcast_in_dim3A_20 : vector<16xf32> to vector<16xf32>
    tpu.vector_store %arg6[%swap3A_21], %swap3A_24 {strides = array<i32>} : memref<128xf32, #tpu.memory_space<vmem>>, vector<16xf32>,
    %broadcast_in_dim3A_25 = arith.constant 1.000000e+00 : f32
    %broadcast_in_dim3A_26 = vector.broadcast %broadcast_in_dim3A_25 : f32 to vector<16xf32>
    %swap3A_27 = arith.constant 64 : index
    %swap3A_28 = tpu.vector_load %arg6[%swap3A_27] {strides = array<i32>} : memref<128xf32, #tpu.memory_space<vmem>>, vector<16xf32>,
    %swap3A_29 = vector.shape_cast %swap3A_28 : vector<16xf32> to vector<16xf32>
    %swap3A_30 = vector.shape_cast %broadcast_in_dim3A_26 : vector<16xf32> to vector<16xf32>
    tpu.vector_store %arg6[%swap3A_27], %swap3A_30 {strides = array<i32>} : memref<128xf32, #tpu.memory_space<vmem>>, vector<16xf32>,
    %broadcast_in_dim3A_31 = arith.constant 1.000000e+00 : f32
    %broadcast_in_dim3A_32 = vector.broadcast %broadcast_in_dim3A_31 : f32 to vector<16xf32>
    %swap3A_33 = arith.constant 80 : index
    %swap3A_34 = tpu.vector_load %arg6[%swap3A_33] {strides = array<i32>} : memref<128xf32, #tpu.memory_space<vmem>>, vector<16xf32>,
    %swap3A_35 = vector.shape_cast %swap3A_34 : vector<16xf32> to vector<16xf32>
    %swap3A_36 = vector.shape_cast %broadcast_in_dim3A_32 : vector<16xf32> to vector<16xf32>
    tpu.vector_store %arg6[%swap3A_33], %swap3A_36 {strides = array<i32>} : memref<128xf32, #tpu.memory_space<vmem>>, vector<16xf32>,
    %broadcast_in_dim3A_37 = arith.constant 1.000000e+00 : f32
    %broadcast_in_dim3A_38 = vector.broadcast %broadcast_in_dim3A_37 : f32 to vector<16xf32>
    %swap3A_39 = arith.constant 96 : index
    %swap3A_40 = tpu.vector_load %arg6[%swap3A_39] {strides = array<i32>} : memref<128xf32, #tpu.memory_space<vmem>>, vector<16xf32>,
    %swap3A_41 = vector.shape_cast %swap3A_40 : vector<16xf32> to vector<16xf32>
    %swap3A_42 = vector.shape_cast %broadcast_in_dim3A_38 : vector<16xf32> to vector<16xf32>
    tpu.vector_store %arg6[%swap3A_39], %swap3A_42 {strides = array<i32>} : memref<128xf32, #tpu.memory_space<vmem>>, vector<16xf32>,
    %broadcast_in_dim3A_43 = arith.constant 1.000000e+00 : f32
    %broadcast_in_dim3A_44 = vector.broadcast %broadcast_in_dim3A_43 : f32 to vector<16xf32>
    %swap3A_45 = arith.constant 112 : index
    %swap3A_46 = tpu.vector_load %arg6[%swap3A_45] {strides = array<i32>} : memref<128xf32, #tpu.memory_space<vmem>>, vector<16xf32>,
    %swap3A_47 = vector.shape_cast %swap3A_46 : vector<16xf32> to vector<16xf32>
    %swap3A_48 = vector.shape_cast %broadcast_in_dim3A_44 : vector<16xf32> to vector<16xf32>
    tpu.vector_store %arg6[%swap3A_45], %swap3A_48 {strides = array<i32>} : memref<128xf32, #tpu.memory_space<vmem>>, vector<16xf32>,
    "tpu.region"() ({
      %run_scoped3A = tpu.sem_alloc : memref<!tpu.dma_semaphore, #tpu.memory_space<semaphore_mem>>
      %dma_start3A = tpu.memref_slice %arg7[%multiple_of3A] : memref<10240xf32, #tpu.memory_space<vmem_shared>> -> memref<640xf32, #tpu.memory_space<vmem_shared>>
      %dma_start3A_59 = tpu.memref_slice %arg3[%multiple_of3A] : memref<10240xf32, #tpu.memory_space<hbm>> -> memref<640xf32, #tpu.memory_space<hbm>>
      tpu.enqueue_dma source(%dma_start3A_59 : memref<640xf32, #tpu.memory_space<hbm>>) target(%dma_start3A : memref<640xf32, #tpu.memory_space<vmem_shared>>) target_semaphore(%run_scoped3A : memref<!tpu.dma_semaphore, #tpu.memory_space<semaphore_mem>>)
      %dma_wait3A = tpu.memref_slice %arg7[%multiple_of3A] : memref<10240xf32, #tpu.memory_space<vmem_shared>> -> memref<640xf32, #tpu.memory_space<vmem_shared>>
      %dma_wait3A_60 = tpu.memref_slice %arg3[%multiple_of3A] : memref<10240xf32, #tpu.memory_space<hbm>> -> memref<640xf32, #tpu.memory_space<hbm>>
      tpu.wait_dma2 semaphore(%run_scoped3A : memref<!tpu.dma_semaphore, #tpu.memory_space<semaphore_mem>>) src(%dma_wait3A_60 : memref<640xf32, #tpu.memory_space<hbm>>) dst(%dma_wait3A : memref<640xf32, #tpu.memory_space<vmem_shared>>)
      tpu.yield
    }) : () -> ()
    %barrier3A = arith.constant 0 : index
    tpu.barrier barrier_id(%barrier3A)
    %scan3A = arith.constant 0 : i32
    %scan3A_49 = arith.constant 0 : i32
    %scan3A_50 = arith.constant 79 : i32
    %scan3A_51 = arith.addi %scan3A_49, %scan3A_50 : i32
    %scan3A_52 = arith.constant 1 : i32
    scf.for %scan3A_59 = %scan3A_49 to %scan3A_51 step %scan3A_52  : i32 {
      "tpu.region"() ({
        %run_scoped3A = tpu.sem_alloc : memref<!tpu.dma_semaphore, #tpu.memory_space<semaphore_mem>>
        %dma_start3A = arith.constant 0 : i32
        %dma_start3A_60 = tpu.memref_slice %arg5[%scan3A_59, %dma_start3A] : memref<79x128xi32, #tpu.memory_space<vmem>> -> memref<1x128xi32, #tpu.memory_space<vmem>>
        %dma_start3A_61 = tpu.memref_squeeze %dma_start3A_60 : memref<1x128xi32, #tpu.memory_space<vmem>> -> memref<128xi32, #tpu.memory_space<vmem>>
        %dma_start3A_62 = arith.constant 0 : i32
        %dma_start3A_63 = tpu.memref_slice %arg7[%dma_start3A_62] : memref<10240xf32, #tpu.memory_space<vmem_shared>> -> memref<10240xf32, #tpu.memory_space<vmem_shared>>
        tpu.enqueue_indirect_dma source(%arg6 : memref<128xf32, #tpu.memory_space<vmem>>) target(%dma_start3A_63 : memref<10240xf32, #tpu.memory_space<vmem_shared>>) offsets(%dma_start3A_61 : memref<128xi32, #tpu.memory_space<vmem>>) semaphore(%run_scoped3A : memref<!tpu.dma_semaphore, #tpu.memory_space<semaphore_mem>>) {add = true}
        %dma_wait3A = arith.constant 0 : i32
        %dma_wait3A_64 = tpu.memref_slice %arg5[%scan3A_59, %dma_wait3A] : memref<79x128xi32, #tpu.memory_space<vmem>> -> memref<1x128xi32, #tpu.memory_space<vmem>>
        %dma_wait3A_65 = tpu.memref_squeeze %dma_wait3A_64 : memref<1x128xi32, #tpu.memory_space<vmem>> -> memref<128xi32, #tpu.memory_space<vmem>>
        %dma_wait3A_66 = arith.constant 0 : i32
        %dma_wait3A_67 = tpu.memref_slice %arg7[%dma_wait3A_66] : memref<10240xf32, #tpu.memory_space<vmem_shared>> -> memref<10240xf32, #tpu.memory_space<vmem_shared>>
        tpu.wait_indirect_dma semaphore(%run_scoped3A : memref<!tpu.dma_semaphore, #tpu.memory_space<semaphore_mem>>) src(%arg6 : memref<128xf32, #tpu.memory_space<vmem>>) dst(%dma_wait3A_67 : memref<10240xf32, #tpu.memory_space<vmem_shared>>)
        tpu.yield
      }) : () -> ()
    }
    %scan3A_53 = arith.constant 79 : i32
    %barrier3A_54 = arith.constant 0 : index
    tpu.barrier barrier_id(%barrier3A_54)
    %mul3A_55 = arith.constant 10240 : i32
    %mul3A_56 = arith.muli %arg0, %mul3A_55 : i32
    %add3A_57 = arith.addi %mul3A_56, %multiple_of3A : i32
    %multiple_of3A_58 = tpu.assume_multiple %add3A_57, 640 : i32
    "tpu.region"() ({
      %run_scoped3A = tpu.sem_alloc : memref<!tpu.dma_semaphore, #tpu.memory_space<semaphore_mem>>
      %dma_start3A = tpu.memref_slice %arg4[%multiple_of3A_58] : memref<20480xf32, #tpu.memory_space<hbm>> -> memref<640xf32, #tpu.memory_space<hbm>>
      %dma_start3A_59 = tpu.memref_slice %arg7[%multiple_of3A] : memref<10240xf32, #tpu.memory_space<vmem_shared>> -> memref<640xf32, #tpu.memory_space<vmem_shared>>
      tpu.enqueue_dma source(%dma_start3A_59 : memref<640xf32, #tpu.memory_space<vmem_shared>>) target(%dma_start3A : memref<640xf32, #tpu.memory_space<hbm>>) target_semaphore(%run_scoped3A : memref<!tpu.dma_semaphore, #tpu.memory_space<semaphore_mem>>)
      %dma_wait3A = tpu.memref_slice %arg4[%multiple_of3A_58] : memref<20480xf32, #tpu.memory_space<hbm>> -> memref<640xf32, #tpu.memory_space<hbm>>
      %dma_wait3A_60 = tpu.memref_slice %arg7[%multiple_of3A] : memref<10240xf32, #tpu.memory_space<vmem_shared>> -> memref<640xf32, #tpu.memory_space<vmem_shared>>
      tpu.wait_dma2 semaphore(%run_scoped3A : memref<!tpu.dma_semaphore, #tpu.memory_space<semaphore_mem>>) src(%dma_wait3A_60 : memref<640xf32, #tpu.memory_space<vmem_shared>>) dst(%dma_wait3A : memref<640xf32, #tpu.memory_space<hbm>>)
      tpu.yield
    }) : () -> ()
    return
  }
}

#map = affine_map<(d0, d1) -> (0, 0, 0)>
#map1 = affine_map<(d0, d1) -> (0, 0)>
module attributes {stable_mosaic.version = 14 : i64} {
  func.func @scatter_fn(%arg0: i32, %arg1: i32, %arg2: memref<32x79x128xi32, #tpu.memory_space<hbm>>, %arg3: memref<32x79x128xi32, #tpu.memory_space<hbm>>, %arg4: memref<10000x16xf32, #tpu.memory_space<hbm>>, %arg5: memref<10240x16xf32, #tpu.memory_space<hbm>>, %arg6: memref<2x10240x16xf32, #tpu.memory_space<hbm>>, %arg7: memref<79x128xi32, #tpu.memory_space<vmem>>, %arg8: memref<79x128xi32, #tpu.memory_space<vmem>>, %arg9: memref<128x16xf32, #tpu.memory_space<vmem>>, %arg10: memref<10240x16xf32, #tpu.memory_space<vmem_shared>>, %arg11: memref<!tpu.dma_semaphore, #tpu.memory_space<semaphore_mem>>) attributes {dimension_semantics = [#tpu.dimension_semantics<core_parallel>, #tpu.dimension_semantics<subcore_parallel>], iteration_bounds = array<i64: 2, 16>, scalar_prefetch = 0 : i64, scratch_operands = 5 : i64, tpu.core_type = #tpu.core_type<sc_vector_subcore>, window_params = [{transform_indices = #map}, {transform_indices = #map}, {transform_indices = #map1}, {transform_indices = #map1}, {transform_indices = #map}]} {
    %mul3A = arith.constant 16 : i32
    %mul3A_0 = arith.muli %arg0, %mul3A : i32
    %add3A = arith.addi %mul3A_0, %arg1 : i32
    %mul3A_1 = arith.constant 640 : i32
    %mul3A_2 = arith.muli %arg1, %mul3A_1 : i32
    %multiple_of3A = tpu.assume_multiple %mul3A_2, 640 : i32
    "tpu.region"() ({
      %run_scoped3A = tpu.sem_alloc : memref<!tpu.dma_semaphore, #tpu.memory_space<semaphore_mem>>
      %dma_start3A = arith.constant 0 : i32
      %dma_start3A_9 = tpu.memref_slice %arg10[%multiple_of3A, %dma_start3A] : memref<10240x16xf32, #tpu.memory_space<vmem_shared>> -> memref<640x16xf32, #tpu.memory_space<vmem_shared>>
      %dma_start3A_10 = arith.constant 0 : i32
      %dma_start3A_11 = tpu.memref_slice %arg5[%multiple_of3A, %dma_start3A_10] : memref<10240x16xf32, #tpu.memory_space<hbm>> -> memref<640x16xf32, #tpu.memory_space<hbm>>
      tpu.enqueue_dma source(%dma_start3A_11 : memref<640x16xf32, #tpu.memory_space<hbm>>) target(%dma_start3A_9 : memref<640x16xf32, #tpu.memory_space<vmem_shared>>) target_semaphore(%run_scoped3A : memref<!tpu.dma_semaphore, #tpu.memory_space<semaphore_mem>>)
      %dma_wait3A = arith.constant 0 : i32
      %dma_wait3A_12 = tpu.memref_slice %arg10[%multiple_of3A, %dma_wait3A] : memref<10240x16xf32, #tpu.memory_space<vmem_shared>> -> memref<640x16xf32, #tpu.memory_space<vmem_shared>>
      %dma_wait3A_13 = arith.constant 0 : i32
      %dma_wait3A_14 = tpu.memref_slice %arg5[%multiple_of3A, %dma_wait3A_13] : memref<10240x16xf32, #tpu.memory_space<hbm>> -> memref<640x16xf32, #tpu.memory_space<hbm>>
      tpu.wait_dma2 semaphore(%run_scoped3A : memref<!tpu.dma_semaphore, #tpu.memory_space<semaphore_mem>>) src(%dma_wait3A_14 : memref<640x16xf32, #tpu.memory_space<hbm>>) dst(%dma_wait3A_12 : memref<640x16xf32, #tpu.memory_space<vmem_shared>>)
      tpu.yield
    }) : () -> ()
    "tpu.region"() ({
      %run_scoped3A = tpu.sem_alloc : memref<!tpu.dma_semaphore, #tpu.memory_space<semaphore_mem>>
      %dma_start3A = arith.constant 0 : i32
      %dma_start3A_9 = arith.constant 0 : i32
      %dma_start3A_10 = tpu.memref_slice %arg2[%add3A, %dma_start3A, %dma_start3A_9] : memref<32x79x128xi32, #tpu.memory_space<hbm>> -> memref<1x79x128xi32, #tpu.memory_space<hbm>>
      %dma_start3A_11 = tpu.memref_squeeze %dma_start3A_10 : memref<1x79x128xi32, #tpu.memory_space<hbm>> -> memref<79x128xi32, #tpu.memory_space<hbm>>
      %dma_start3A_12 = arith.constant 0 : i32
      %dma_start3A_13 = arith.constant 0 : i32
      %dma_start3A_14 = tpu.memref_slice %arg2[%add3A, %dma_start3A_12, %dma_start3A_13] : memref<32x79x128xi32, #tpu.memory_space<hbm>> -> memref<1x79x128xi32, #tpu.memory_space<hbm>>
      %dma_start3A_15 = tpu.memref_squeeze %dma_start3A_14 : memref<1x79x128xi32, #tpu.memory_space<hbm>> -> memref<79x128xi32, #tpu.memory_space<hbm>>
      tpu.enqueue_dma source(%dma_start3A_15 : memref<79x128xi32, #tpu.memory_space<hbm>>) target(%arg7 : memref<79x128xi32, #tpu.memory_space<vmem>>) target_semaphore(%run_scoped3A : memref<!tpu.dma_semaphore, #tpu.memory_space<semaphore_mem>>)
      %dma_wait3A = arith.constant 0 : i32
      %dma_wait3A_16 = arith.constant 0 : i32
      %dma_wait3A_17 = tpu.memref_slice %arg2[%add3A, %dma_wait3A, %dma_wait3A_16] : memref<32x79x128xi32, #tpu.memory_space<hbm>> -> memref<1x79x128xi32, #tpu.memory_space<hbm>>
      %dma_wait3A_18 = tpu.memref_squeeze %dma_wait3A_17 : memref<1x79x128xi32, #tpu.memory_space<hbm>> -> memref<79x128xi32, #tpu.memory_space<hbm>>
      %dma_wait3A_19 = arith.constant 0 : i32
      %dma_wait3A_20 = arith.constant 0 : i32
      %dma_wait3A_21 = tpu.memref_slice %arg2[%add3A, %dma_wait3A_19, %dma_wait3A_20] : memref<32x79x128xi32, #tpu.memory_space<hbm>> -> memref<1x79x128xi32, #tpu.memory_space<hbm>>
      %dma_wait3A_22 = tpu.memref_squeeze %dma_wait3A_21 : memref<1x79x128xi32, #tpu.memory_space<hbm>> -> memref<79x128xi32, #tpu.memory_space<hbm>>
      tpu.wait_dma2 semaphore(%run_scoped3A : memref<!tpu.dma_semaphore, #tpu.memory_space<semaphore_mem>>) src(%dma_wait3A_22 : memref<79x128xi32, #tpu.memory_space<hbm>>) dst(%arg7 : memref<79x128xi32, #tpu.memory_space<vmem>>)
      tpu.yield
    }) : () -> ()
    "tpu.region"() ({
      %run_scoped3A = tpu.sem_alloc : memref<!tpu.dma_semaphore, #tpu.memory_space<semaphore_mem>>
      %dma_start3A = arith.constant 0 : i32
      %dma_start3A_9 = arith.constant 0 : i32
      %dma_start3A_10 = tpu.memref_slice %arg3[%add3A, %dma_start3A, %dma_start3A_9] : memref<32x79x128xi32, #tpu.memory_space<hbm>> -> memref<1x79x128xi32, #tpu.memory_space<hbm>>
      %dma_start3A_11 = tpu.memref_squeeze %dma_start3A_10 : memref<1x79x128xi32, #tpu.memory_space<hbm>> -> memref<79x128xi32, #tpu.memory_space<hbm>>
      %dma_start3A_12 = arith.constant 0 : i32
      %dma_start3A_13 = arith.constant 0 : i32
      %dma_start3A_14 = tpu.memref_slice %arg3[%add3A, %dma_start3A_12, %dma_start3A_13] : memref<32x79x128xi32, #tpu.memory_space<hbm>> -> memref<1x79x128xi32, #tpu.memory_space<hbm>>
      %dma_start3A_15 = tpu.memref_squeeze %dma_start3A_14 : memref<1x79x128xi32, #tpu.memory_space<hbm>> -> memref<79x128xi32, #tpu.memory_space<hbm>>
      tpu.enqueue_dma source(%dma_start3A_15 : memref<79x128xi32, #tpu.memory_space<hbm>>) target(%arg8 : memref<79x128xi32, #tpu.memory_space<vmem>>) target_semaphore(%run_scoped3A : memref<!tpu.dma_semaphore, #tpu.memory_space<semaphore_mem>>)
      %dma_wait3A = arith.constant 0 : i32
      %dma_wait3A_16 = arith.constant 0 : i32
      %dma_wait3A_17 = tpu.memref_slice %arg3[%add3A, %dma_wait3A, %dma_wait3A_16] : memref<32x79x128xi32, #tpu.memory_space<hbm>> -> memref<1x79x128xi32, #tpu.memory_space<hbm>>
      %dma_wait3A_18 = tpu.memref_squeeze %dma_wait3A_17 : memref<1x79x128xi32, #tpu.memory_space<hbm>> -> memref<79x128xi32, #tpu.memory_space<hbm>>
      %dma_wait3A_19 = arith.constant 0 : i32
      %dma_wait3A_20 = arith.constant 0 : i32
      %dma_wait3A_21 = tpu.memref_slice %arg3[%add3A, %dma_wait3A_19, %dma_wait3A_20] : memref<32x79x128xi32, #tpu.memory_space<hbm>> -> memref<1x79x128xi32, #tpu.memory_space<hbm>>
      %dma_wait3A_22 = tpu.memref_squeeze %dma_wait3A_21 : memref<1x79x128xi32, #tpu.memory_space<hbm>> -> memref<79x128xi32, #tpu.memory_space<hbm>>
      tpu.wait_dma2 semaphore(%run_scoped3A : memref<!tpu.dma_semaphore, #tpu.memory_space<semaphore_mem>>) src(%dma_wait3A_22 : memref<79x128xi32, #tpu.memory_space<hbm>>) dst(%arg8 : memref<79x128xi32, #tpu.memory_space<vmem>>)
      tpu.yield
    }) : () -> ()
    %barrier3A = arith.constant 0 : index
    tpu.barrier barrier_id(%barrier3A)
    %scan3A = arith.constant 0 : i32
    %scan3A_3 = arith.constant 0 : i32
    %scan3A_4 = arith.constant 79 : i32
    %scan3A_5 = arith.addi %scan3A_3, %scan3A_4 : i32
    %scan3A_6 = arith.constant 1 : i32
    scf.for %scan3A_9 = %scan3A_3 to %scan3A_5 step %scan3A_6  : i32 {
      %dma_start3A = arith.constant 0 : i32
      %dma_start3A_10 = tpu.memref_slice %arg7[%scan3A_9, %dma_start3A] : memref<79x128xi32, #tpu.memory_space<vmem>> -> memref<1x128xi32, #tpu.memory_space<vmem>>
      %dma_start3A_11 = tpu.memref_squeeze %dma_start3A_10 : memref<1x128xi32, #tpu.memory_space<vmem>> -> memref<128xi32, #tpu.memory_space<vmem>>
      %dma_start3A_12 = arith.constant 0 : i32
      %dma_start3A_13 = arith.constant 0 : i32
      %dma_start3A_14 = tpu.memref_slice %arg4[%dma_start3A_12, %dma_start3A_13] : memref<10000x16xf32, #tpu.memory_space<hbm>> -> memref<10000x16xf32, #tpu.memory_space<hbm>>
      tpu.enqueue_indirect_dma source(%dma_start3A_14 : memref<10000x16xf32, #tpu.memory_space<hbm>>) target(%arg9 : memref<128x16xf32, #tpu.memory_space<vmem>>) offsets(%dma_start3A_11 : memref<128xi32, #tpu.memory_space<vmem>>) semaphore(%arg11 : memref<!tpu.dma_semaphore, #tpu.memory_space<semaphore_mem>>)
      %dma_wait3A = arith.constant 0 : i32
      %dma_wait3A_15 = tpu.memref_slice %arg7[%scan3A_9, %dma_wait3A] : memref<79x128xi32, #tpu.memory_space<vmem>> -> memref<1x128xi32, #tpu.memory_space<vmem>>
      %dma_wait3A_16 = tpu.memref_squeeze %dma_wait3A_15 : memref<1x128xi32, #tpu.memory_space<vmem>> -> memref<128xi32, #tpu.memory_space<vmem>>
      %dma_wait3A_17 = arith.constant 0 : i32
      %dma_wait3A_18 = arith.constant 0 : i32
      %dma_wait3A_19 = tpu.memref_slice %arg4[%dma_wait3A_17, %dma_wait3A_18] : memref<10000x16xf32, #tpu.memory_space<hbm>> -> memref<10000x16xf32, #tpu.memory_space<hbm>>
      tpu.wait_indirect_dma semaphore(%arg11 : memref<!tpu.dma_semaphore, #tpu.memory_space<semaphore_mem>>) src(%dma_wait3A_19 : memref<10000x16xf32, #tpu.memory_space<hbm>>) dst(%arg9 : memref<128x16xf32, #tpu.memory_space<vmem>>)
      "tpu.region"() ({
        %run_scoped3A = tpu.sem_alloc : memref<!tpu.dma_semaphore, #tpu.memory_space<semaphore_mem>>
        %dma_start3A_20 = arith.constant 0 : i32
        %dma_start3A_21 = tpu.memref_slice %arg8[%scan3A_9, %dma_start3A_20] : memref<79x128xi32, #tpu.memory_space<vmem>> -> memref<1x128xi32, #tpu.memory_space<vmem>>
        %dma_start3A_22 = tpu.memref_squeeze %dma_start3A_21 : memref<1x128xi32, #tpu.memory_space<vmem>> -> memref<128xi32, #tpu.memory_space<vmem>>
        %dma_start3A_23 = arith.constant 0 : i32
        %dma_start3A_24 = arith.constant 0 : i32
        %dma_start3A_25 = tpu.memref_slice %arg10[%dma_start3A_23, %dma_start3A_24] : memref<10240x16xf32, #tpu.memory_space<vmem_shared>> -> memref<10240x16xf32, #tpu.memory_space<vmem_shared>>
        tpu.enqueue_indirect_dma source(%arg9 : memref<128x16xf32, #tpu.memory_space<vmem>>) target(%dma_start3A_25 : memref<10240x16xf32, #tpu.memory_space<vmem_shared>>) offsets(%dma_start3A_22 : memref<128xi32, #tpu.memory_space<vmem>>) semaphore(%run_scoped3A : memref<!tpu.dma_semaphore, #tpu.memory_space<semaphore_mem>>) {add = true}
        %dma_wait3A_26 = arith.constant 0 : i32
        %dma_wait3A_27 = tpu.memref_slice %arg8[%scan3A_9, %dma_wait3A_26] : memref<79x128xi32, #tpu.memory_space<vmem>> -> memref<1x128xi32, #tpu.memory_space<vmem>>
        %dma_wait3A_28 = tpu.memref_squeeze %dma_wait3A_27 : memref<1x128xi32, #tpu.memory_space<vmem>> -> memref<128xi32, #tpu.memory_space<vmem>>
        %dma_wait3A_29 = arith.constant 0 : i32
        %dma_wait3A_30 = arith.constant 0 : i32
        %dma_wait3A_31 = tpu.memref_slice %arg10[%dma_wait3A_29, %dma_wait3A_30] : memref<10240x16xf32, #tpu.memory_space<vmem_shared>> -> memref<10240x16xf32, #tpu.memory_space<vmem_shared>>
        tpu.wait_indirect_dma semaphore(%run_scoped3A : memref<!tpu.dma_semaphore, #tpu.memory_space<semaphore_mem>>) src(%arg9 : memref<128x16xf32, #tpu.memory_space<vmem>>) dst(%dma_wait3A_31 : memref<10240x16xf32, #tpu.memory_space<vmem_shared>>)
        tpu.yield
      }) : () -> ()
    }
    %scan3A_7 = arith.constant 79 : i32
    %barrier3A_8 = arith.constant 0 : index
    tpu.barrier barrier_id(%barrier3A_8)
    "tpu.region"() ({
      %run_scoped3A = tpu.sem_alloc : memref<!tpu.dma_semaphore, #tpu.memory_space<semaphore_mem>>
      %dma_start3A = arith.constant 0 : i32
      %dma_start3A_9 = tpu.memref_slice %arg6[%arg0, %multiple_of3A, %dma_start3A] : memref<2x10240x16xf32, #tpu.memory_space<hbm>> -> memref<1x640x16xf32, #tpu.memory_space<hbm>>
      %dma_start3A_10 = tpu.memref_squeeze %dma_start3A_9 : memref<1x640x16xf32, #tpu.memory_space<hbm>> -> memref<640x16xf32, #tpu.memory_space<hbm>>
      %dma_start3A_11 = arith.constant 0 : i32
      %dma_start3A_12 = tpu.memref_slice %arg10[%multiple_of3A, %dma_start3A_11] : memref<10240x16xf32, #tpu.memory_space<vmem_shared>> -> memref<640x16xf32, #tpu.memory_space<vmem_shared>>
      tpu.enqueue_dma source(%dma_start3A_12 : memref<640x16xf32, #tpu.memory_space<vmem_shared>>) target(%dma_start3A_10 : memref<640x16xf32, #tpu.memory_space<hbm>>) target_semaphore(%run_scoped3A : memref<!tpu.dma_semaphore, #tpu.memory_space<semaphore_mem>>)
      %dma_wait3A = arith.constant 0 : i32
      %dma_wait3A_13 = tpu.memref_slice %arg6[%arg0, %multiple_of3A, %dma_wait3A] : memref<2x10240x16xf32, #tpu.memory_space<hbm>> -> memref<1x640x16xf32, #tpu.memory_space<hbm>>
      %dma_wait3A_14 = tpu.memref_squeeze %dma_wait3A_13 : memref<1x640x16xf32, #tpu.memory_space<hbm>> -> memref<640x16xf32, #tpu.memory_space<hbm>>
      %dma_wait3A_15 = arith.constant 0 : i32
      %dma_wait3A_16 = tpu.memref_slice %arg10[%multiple_of3A, %dma_wait3A_15] : memref<10240x16xf32, #tpu.memory_space<vmem_shared>> -> memref<640x16xf32, #tpu.memory_space<vmem_shared>>
      tpu.wait_dma2 semaphore(%run_scoped3A : memref<!tpu.dma_semaphore, #tpu.memory_space<semaphore_mem>>) src(%dma_wait3A_16 : memref<640x16xf32, #tpu.memory_space<vmem_shared>>) dst(%dma_wait3A_14 : memref<640x16xf32, #tpu.memory_space<hbm>>)
      tpu.yield
    }) : () -> ()
    return
  }
}

#map = affine_map<(d0, d1) -> (0, 0, 0)>
#map1 = affine_map<(d0, d1) -> (0, 0)>
module attributes {stable_mosaic.version = 14 : i64} {
  func.func @scatter_fn(%arg0: i32, %arg1: i32, %arg2: memref<32x79x128xi32, #tpu.memory_space<hbm>>, %arg3: memref<32x79x128xi32, #tpu.memory_space<hbm>>, %arg4: memref<10000x16xf32, #tpu.memory_space<hbm>>, %arg5: memref<10240x16xf32, #tpu.memory_space<hbm>>, %arg6: memref<2x10240x16xf32, #tpu.memory_space<hbm>>, %arg7: memref<79x128xi32, #tpu.memory_space<vmem>>, %arg8: memref<79x128xi32, #tpu.memory_space<vmem>>, %arg9: memref<128x16xf32, #tpu.memory_space<vmem>>, %arg10: memref<10240x16xf32, #tpu.memory_space<vmem_shared>>, %arg11: memref<!tpu.dma_semaphore, #tpu.memory_space<semaphore_mem>>) attributes {dimension_semantics = [#tpu.dimension_semantics<core_parallel>, #tpu.dimension_semantics<subcore_parallel>], iteration_bounds = array<i64: 2, 16>, scalar_prefetch = 0 : i64, scratch_operands = 5 : i64, tpu.core_type = #tpu.core_type<sc_vector_subcore>, window_params = [{transform_indices = #map}, {transform_indices = #map}, {transform_indices = #map1}, {transform_indices = #map1}, {transform_indices = #map}]} {
    %mul3A = arith.constant 16 : i32
    %mul3A_0 = arith.muli %arg0, %mul3A : i32
    %add3A = arith.addi %mul3A_0, %arg1 : i32
    %mul3A_1 = arith.constant 640 : i32
    %mul3A_2 = arith.muli %arg1, %mul3A_1 : i32
    %multiple_of3A = tpu.assume_multiple %mul3A_2, 640 : i32
    "tpu.region"() ({
      %run_scoped3A = tpu.sem_alloc : memref<!tpu.dma_semaphore, #tpu.memory_space<semaphore_mem>>
      %dma_start3A = arith.constant 0 : i32
      %dma_start3A_9 = tpu.memref_slice %arg10[%multiple_of3A, %dma_start3A] : memref<10240x16xf32, #tpu.memory_space<vmem_shared>> -> memref<640x16xf32, #tpu.memory_space<vmem_shared>>
      %dma_start3A_10 = arith.constant 0 : i32
      %dma_start3A_11 = tpu.memref_slice %arg5[%multiple_of3A, %dma_start3A_10] : memref<10240x16xf32, #tpu.memory_space<hbm>> -> memref<640x16xf32, #tpu.memory_space<hbm>>
      tpu.enqueue_dma source(%dma_start3A_11 : memref<640x16xf32, #tpu.memory_space<hbm>>) target(%dma_start3A_9 : memref<640x16xf32, #tpu.memory_space<vmem_shared>>) target_semaphore(%run_scoped3A : memref<!tpu.dma_semaphore, #tpu.memory_space<semaphore_mem>>)
      %dma_wait3A = arith.constant 0 : i32
      %dma_wait3A_12 = tpu.memref_slice %arg10[%multiple_of3A, %dma_wait3A] : memref<10240x16xf32, #tpu.memory_space<vmem_shared>> -> memref<640x16xf32, #tpu.memory_space<vmem_shared>>
      %dma_wait3A_13 = arith.constant 0 : i32
      %dma_wait3A_14 = tpu.memref_slice %arg5[%multiple_of3A, %dma_wait3A_13] : memref<10240x16xf32, #tpu.memory_space<hbm>> -> memref<640x16xf32, #tpu.memory_space<hbm>>
      tpu.wait_dma2 semaphore(%run_scoped3A : memref<!tpu.dma_semaphore, #tpu.memory_space<semaphore_mem>>) src(%dma_wait3A_14 : memref<640x16xf32, #tpu.memory_space<hbm>>) dst(%dma_wait3A_12 : memref<640x16xf32, #tpu.memory_space<vmem_shared>>)
      tpu.yield
    }) : () -> ()
    "tpu.region"() ({
      %run_scoped3A = tpu.sem_alloc : memref<!tpu.dma_semaphore, #tpu.memory_space<semaphore_mem>>
      %dma_start3A = arith.constant 0 : i32
      %dma_start3A_9 = arith.constant 0 : i32
      %dma_start3A_10 = tpu.memref_slice %arg2[%add3A, %dma_start3A, %dma_start3A_9] : memref<32x79x128xi32, #tpu.memory_space<hbm>> -> memref<1x79x128xi32, #tpu.memory_space<hbm>>
      %dma_start3A_11 = tpu.memref_squeeze %dma_start3A_10 : memref<1x79x128xi32, #tpu.memory_space<hbm>> -> memref<79x128xi32, #tpu.memory_space<hbm>>
      %dma_start3A_12 = arith.constant 0 : i32
      %dma_start3A_13 = arith.constant 0 : i32
      %dma_start3A_14 = tpu.memref_slice %arg2[%add3A, %dma_start3A_12, %dma_start3A_13] : memref<32x79x128xi32, #tpu.memory_space<hbm>> -> memref<1x79x128xi32, #tpu.memory_space<hbm>>
      %dma_start3A_15 = tpu.memref_squeeze %dma_start3A_14 : memref<1x79x128xi32, #tpu.memory_space<hbm>> -> memref<79x128xi32, #tpu.memory_space<hbm>>
      tpu.enqueue_dma source(%dma_start3A_15 : memref<79x128xi32, #tpu.memory_space<hbm>>) target(%arg7 : memref<79x128xi32, #tpu.memory_space<vmem>>) target_semaphore(%run_scoped3A : memref<!tpu.dma_semaphore, #tpu.memory_space<semaphore_mem>>)
      %dma_wait3A = arith.constant 0 : i32
      %dma_wait3A_16 = arith.constant 0 : i32
      %dma_wait3A_17 = tpu.memref_slice %arg2[%add3A, %dma_wait3A, %dma_wait3A_16] : memref<32x79x128xi32, #tpu.memory_space<hbm>> -> memref<1x79x128xi32, #tpu.memory_space<hbm>>
      %dma_wait3A_18 = tpu.memref_squeeze %dma_wait3A_17 : memref<1x79x128xi32, #tpu.memory_space<hbm>> -> memref<79x128xi32, #tpu.memory_space<hbm>>
      %dma_wait3A_19 = arith.constant 0 : i32
      %dma_wait3A_20 = arith.constant 0 : i32
      %dma_wait3A_21 = tpu.memref_slice %arg2[%add3A, %dma_wait3A_19, %dma_wait3A_20] : memref<32x79x128xi32, #tpu.memory_space<hbm>> -> memref<1x79x128xi32, #tpu.memory_space<hbm>>
      %dma_wait3A_22 = tpu.memref_squeeze %dma_wait3A_21 : memref<1x79x128xi32, #tpu.memory_space<hbm>> -> memref<79x128xi32, #tpu.memory_space<hbm>>
      tpu.wait_dma2 semaphore(%run_scoped3A : memref<!tpu.dma_semaphore, #tpu.memory_space<semaphore_mem>>) src(%dma_wait3A_22 : memref<79x128xi32, #tpu.memory_space<hbm>>) dst(%arg7 : memref<79x128xi32, #tpu.memory_space<vmem>>)
      tpu.yield
    }) : () -> ()
    "tpu.region"() ({
      %run_scoped3A = tpu.sem_alloc : memref<!tpu.dma_semaphore, #tpu.memory_space<semaphore_mem>>
      %dma_start3A = arith.constant 0 : i32
      %dma_start3A_9 = arith.constant 0 : i32
      %dma_start3A_10 = tpu.memref_slice %arg3[%add3A, %dma_start3A, %dma_start3A_9] : memref<32x79x128xi32, #tpu.memory_space<hbm>> -> memref<1x79x128xi32, #tpu.memory_space<hbm>>
      %dma_start3A_11 = tpu.memref_squeeze %dma_start3A_10 : memref<1x79x128xi32, #tpu.memory_space<hbm>> -> memref<79x128xi32, #tpu.memory_space<hbm>>
      %dma_start3A_12 = arith.constant 0 : i32
      %dma_start3A_13 = arith.constant 0 : i32
      %dma_start3A_14 = tpu.memref_slice %arg3[%add3A, %dma_start3A_12, %dma_start3A_13] : memref<32x79x128xi32, #tpu.memory_space<hbm>> -> memref<1x79x128xi32, #tpu.memory_space<hbm>>
      %dma_start3A_15 = tpu.memref_squeeze %dma_start3A_14 : memref<1x79x128xi32, #tpu.memory_space<hbm>> -> memref<79x128xi32, #tpu.memory_space<hbm>>
      tpu.enqueue_dma source(%dma_start3A_15 : memref<79x128xi32, #tpu.memory_space<hbm>>) target(%arg8 : memref<79x128xi32, #tpu.memory_space<vmem>>) target_semaphore(%run_scoped3A : memref<!tpu.dma_semaphore, #tpu.memory_space<semaphore_mem>>)
      %dma_wait3A = arith.constant 0 : i32
      %dma_wait3A_16 = arith.constant 0 : i32
      %dma_wait3A_17 = tpu.memref_slice %arg3[%add3A, %dma_wait3A, %dma_wait3A_16] : memref<32x79x128xi32, #tpu.memory_space<hbm>> -> memref<1x79x128xi32, #tpu.memory_space<hbm>>
      %dma_wait3A_18 = tpu.memref_squeeze %dma_wait3A_17 : memref<1x79x128xi32, #tpu.memory_space<hbm>> -> memref<79x128xi32, #tpu.memory_space<hbm>>
      %dma_wait3A_19 = arith.constant 0 : i32
      %dma_wait3A_20 = arith.constant 0 : i32
      %dma_wait3A_21 = tpu.memref_slice %arg3[%add3A, %dma_wait3A_19, %dma_wait3A_20] : memref<32x79x128xi32, #tpu.memory_space<hbm>> -> memref<1x79x128xi32, #tpu.memory_space<hbm>>
      %dma_wait3A_22 = tpu.memref_squeeze %dma_wait3A_21 : memref<1x79x128xi32, #tpu.memory_space<hbm>> -> memref<79x128xi32, #tpu.memory_space<hbm>>
      tpu.wait_dma2 semaphore(%run_scoped3A : memref<!tpu.dma_semaphore, #tpu.memory_space<semaphore_mem>>) src(%dma_wait3A_22 : memref<79x128xi32, #tpu.memory_space<hbm>>) dst(%arg8 : memref<79x128xi32, #tpu.memory_space<vmem>>)
      tpu.yield
    }) : () -> ()
    %barrier3A = arith.constant 0 : index
    tpu.barrier barrier_id(%barrier3A)
    %scan3A = arith.constant 0 : i32
    %scan3A_3 = arith.constant 0 : i32
    %scan3A_4 = arith.constant 79 : i32
    %scan3A_5 = arith.addi %scan3A_3, %scan3A_4 : i32
    %scan3A_6 = arith.constant 1 : i32
    scf.for %scan3A_9 = %scan3A_3 to %scan3A_5 step %scan3A_6  : i32 {
      %dma_start3A = arith.constant 0 : i32
      %dma_start3A_10 = tpu.memref_slice %arg7[%scan3A_9, %dma_start3A] : memref<79x128xi32, #tpu.memory_space<vmem>> -> memref<1x128xi32, #tpu.memory_space<vmem>>
      %dma_start3A_11 = tpu.memref_squeeze %dma_start3A_10 : memref<1x128xi32, #tpu.memory_space<vmem>> -> memref<128xi32, #tpu.memory_space<vmem>>
      %dma_start3A_12 = arith.constant 0 : i32
      %dma_start3A_13 = arith.constant 0 : i32
      %dma_start3A_14 = tpu.memref_slice %arg4[%dma_start3A_12, %dma_start3A_13] : memref<10000x16xf32, #tpu.memory_space<hbm>> -> memref<10000x16xf32, #tpu.memory_space<hbm>>
      tpu.enqueue_indirect_dma source(%dma_start3A_14 : memref<10000x16xf32, #tpu.memory_space<hbm>>) target(%arg9 : memref<128x16xf32, #tpu.memory_space<vmem>>) offsets(%dma_start3A_11 : memref<128xi32, #tpu.memory_space<vmem>>) semaphore(%arg11 : memref<!tpu.dma_semaphore, #tpu.memory_space<semaphore_mem>>)
      %dma_wait3A = arith.constant 0 : i32
      %dma_wait3A_15 = tpu.memref_slice %arg7[%scan3A_9, %dma_wait3A] : memref<79x128xi32, #tpu.memory_space<vmem>> -> memref<1x128xi32, #tpu.memory_space<vmem>>
      %dma_wait3A_16 = tpu.memref_squeeze %dma_wait3A_15 : memref<1x128xi32, #tpu.memory_space<vmem>> -> memref<128xi32, #tpu.memory_space<vmem>>
      %dma_wait3A_17 = arith.constant 0 : i32
      %dma_wait3A_18 = arith.constant 0 : i32
      %dma_wait3A_19 = tpu.memref_slice %arg4[%dma_wait3A_17, %dma_wait3A_18] : memref<10000x16xf32, #tpu.memory_space<hbm>> -> memref<10000x16xf32, #tpu.memory_space<hbm>>
      tpu.wait_indirect_dma semaphore(%arg11 : memref<!tpu.dma_semaphore, #tpu.memory_space<semaphore_mem>>) src(%dma_wait3A_19 : memref<10000x16xf32, #tpu.memory_space<hbm>>) dst(%arg9 : memref<128x16xf32, #tpu.memory_space<vmem>>)
      "tpu.region"() ({
        %run_scoped3A = tpu.sem_alloc : memref<!tpu.dma_semaphore, #tpu.memory_space<semaphore_mem>>
        %dma_start3A_20 = arith.constant 0 : i32
        %dma_start3A_21 = tpu.memref_slice %arg8[%scan3A_9, %dma_start3A_20] : memref<79x128xi32, #tpu.memory_space<vmem>> -> memref<1x128xi32, #tpu.memory_space<vmem>>
        %dma_start3A_22 = tpu.memref_squeeze %dma_start3A_21 : memref<1x128xi32, #tpu.memory_space<vmem>> -> memref<128xi32, #tpu.memory_space<vmem>>
        %dma_start3A_23 = arith.constant 0 : i32
        %dma_start3A_24 = arith.constant 0 : i32
        %dma_start3A_25 = tpu.memref_slice %arg10[%dma_start3A_23, %dma_start3A_24] : memref<10240x16xf32, #tpu.memory_space<vmem_shared>> -> memref<10240x16xf32, #tpu.memory_space<vmem_shared>>
        tpu.enqueue_indirect_dma source(%arg9 : memref<128x16xf32, #tpu.memory_space<vmem>>) target(%dma_start3A_25 : memref<10240x16xf32, #tpu.memory_space<vmem_shared>>) offsets(%dma_start3A_22 : memref<128xi32, #tpu.memory_space<vmem>>) semaphore(%run_scoped3A : memref<!tpu.dma_semaphore, #tpu.memory_space<semaphore_mem>>) {add = true}
        %dma_wait3A_26 = arith.constant 0 : i32
        %dma_wait3A_27 = tpu.memref_slice %arg8[%scan3A_9, %dma_wait3A_26] : memref<79x128xi32, #tpu.memory_space<vmem>> -> memref<1x128xi32, #tpu.memory_space<vmem>>
        %dma_wait3A_28 = tpu.memref_squeeze %dma_wait3A_27 : memref<1x128xi32, #tpu.memory_space<vmem>> -> memref<128xi32, #tpu.memory_space<vmem>>
        %dma_wait3A_29 = arith.constant 0 : i32
        %dma_wait3A_30 = arith.constant 0 : i32
        %dma_wait3A_31 = tpu.memref_slice %arg10[%dma_wait3A_29, %dma_wait3A_30] : memref<10240x16xf32, #tpu.memory_space<vmem_shared>> -> memref<10240x16xf32, #tpu.memory_space<vmem_shared>>
        tpu.wait_indirect_dma semaphore(%run_scoped3A : memref<!tpu.dma_semaphore, #tpu.memory_space<semaphore_mem>>) src(%arg9 : memref<128x16xf32, #tpu.memory_space<vmem>>) dst(%dma_wait3A_31 : memref<10240x16xf32, #tpu.memory_space<vmem_shared>>)
        tpu.yield
      }) : () -> ()
    }
    %scan3A_7 = arith.constant 79 : i32
    %barrier3A_8 = arith.constant 0 : index
    tpu.barrier barrier_id(%barrier3A_8)
    "tpu.region"() ({
      %run_scoped3A = tpu.sem_alloc : memref<!tpu.dma_semaphore, #tpu.memory_space<semaphore_mem>>
      %dma_start3A = arith.constant 0 : i32
      %dma_start3A_9 = tpu.memref_slice %arg6[%arg0, %multiple_of3A, %dma_start3A] : memref<2x10240x16xf32, #tpu.memory_space<hbm>> -> memref<1x640x16xf32, #tpu.memory_space<hbm>>
      %dma_start3A_10 = tpu.memref_squeeze %dma_start3A_9 : memref<1x640x16xf32, #tpu.memory_space<hbm>> -> memref<640x16xf32, #tpu.memory_space<hbm>>
      %dma_start3A_11 = arith.constant 0 : i32
      %dma_start3A_12 = tpu.memref_slice %arg10[%multiple_of3A, %dma_start3A_11] : memref<10240x16xf32, #tpu.memory_space<vmem_shared>> -> memref<640x16xf32, #tpu.memory_space<vmem_shared>>
      tpu.enqueue_dma source(%dma_start3A_12 : memref<640x16xf32, #tpu.memory_space<vmem_shared>>) target(%dma_start3A_10 : memref<640x16xf32, #tpu.memory_space<hbm>>) target_semaphore(%run_scoped3A : memref<!tpu.dma_semaphore, #tpu.memory_space<semaphore_mem>>)
      %dma_wait3A = arith.constant 0 : i32
      %dma_wait3A_13 = tpu.memref_slice %arg6[%arg0, %multiple_of3A, %dma_wait3A] : memref<2x10240x16xf32, #tpu.memory_space<hbm>> -> memref<1x640x16xf32, #tpu.memory_space<hbm>>
      %dma_wait3A_14 = tpu.memref_squeeze %dma_wait3A_13 : memref<1x640x16xf32, #tpu.memory_space<hbm>> -> memref<640x16xf32, #tpu.memory_space<hbm>>
      %dma_wait3A_15 = arith.constant 0 : i32
      %dma_wait3A_16 = tpu.memref_slice %arg10[%multiple_of3A, %dma_wait3A_15] : memref<10240x16xf32, #tpu.memory_space<vmem_shared>> -> memref<640x16xf32, #tpu.memory_space<vmem_shared>>
      tpu.wait_dma2 semaphore(%run_scoped3A : memref<!tpu.dma_semaphore, #tpu.memory_space<semaphore_mem>>) src(%dma_wait3A_16 : memref<640x16xf32, #tpu.memory_space<vmem_shared>>) dst(%dma_wait3A_14 : memref<640x16xf32, #tpu.memory_space<hbm>>)
      tpu.yield
    }) : () -> ()
    return
  }
}

module attributes {stable_mosaic.version = 14 : i64} {
  func.func @_layer1_body(%arg0: memref<10000x128xf32, #tpu.memory_space<vmem>>, %arg1: memref<128x16xf32, #tpu.memory_space<vmem>>, %arg2: memref<10000x1xf32, #tpu.memory_space<vmem>>, %arg3: memref<10000x16xf32, #tpu.memory_space<vmem>>) attributes {dimension_semantics = [], scalar_prefetch = 0 : i64, scratch_operands = 0 : i64, tpu.core_type = #tpu.core_type<tc>} {
    %get3A = arith.constant 0 : index
    %get3A_0 = arith.constant 0 : index
    %get3A_1 = vector.load %arg0[%get3A, %get3A_0] : memref<10000x128xf32, #tpu.memory_space<vmem>>, vector<10000x128xf32>
    %get3A_2 = arith.constant 0 : index
    %get3A_3 = arith.constant 0 : index
    %get3A_4 = vector.load %arg1[%get3A_2, %get3A_3] : memref<128x16xf32, #tpu.memory_space<vmem>>, vector<128x16xf32>
    %dot_general3A = arith.constant dense<0.000000e+00> : vector<10000x16xf32>
    %dot_general3A_5 = tpu.matmul %get3A_1, %get3A_4, %dot_general3A {dimension_numbers = #tpu.dot_dimension_numbers<[1], [0], [0], [1], [0, 0, 1, 1], [], []>, transpose_lhs_hint = false} : vector<10000x128xf32>, vector<128x16xf32>, vector<10000x16xf32> -> vector<10000x16xf32>
    %get3A_6 = arith.constant 0 : index
    %get3A_7 = arith.constant 0 : index
    %get3A_8 = vector.load %arg2[%get3A_6, %get3A_7] : memref<10000x1xf32, #tpu.memory_space<vmem>>, vector<10000x1xf32>
    %mul3A = vector.broadcast %get3A_8 : vector<10000x1xf32> to vector<10000x16xf32>
    %mul3A_9 = arith.mulf %dot_general3A_5, %mul3A : vector<10000x16xf32>
    %swap3A = arith.constant 0 : index
    %swap3A_10 = arith.constant 0 : index
    %swap3A_11 = vector.load %arg3[%swap3A, %swap3A_10] : memref<10000x16xf32, #tpu.memory_space<vmem>>, vector<10000x16xf32>
    tpu.vector_store %arg3[%swap3A, %swap3A_10], %mul3A_9 {strides = array<i32>} : memref<10000x16xf32, #tpu.memory_space<vmem>>, vector<10000x16xf32>,
    return
  }
}

module attributes {stable_mosaic.version = 14 : i64} {
  func.func @_dinv_body(%arg0: memref<1x10000xf32, #tpu.memory_space<vmem>>, %arg1: memref<1x10000xf32, #tpu.memory_space<vmem>>, %arg2: memref<1x10000xf32, #tpu.memory_space<vmem>>) attributes {dimension_semantics = [], scalar_prefetch = 0 : i64, scratch_operands = 0 : i64, tpu.core_type = #tpu.core_type<tc>} {
    %get3A = arith.constant 0 : index
    %get3A_0 = arith.constant 0 : index
    %get3A_1 = vector.load %arg0[%get3A, %get3A_0] : memref<1x10000xf32, #tpu.memory_space<vmem>>, vector<1x10000xf32>
    %get3A_2 = arith.constant 0 : index
    %get3A_3 = arith.constant 0 : index
    %get3A_4 = vector.load %arg1[%get3A_2, %get3A_3] : memref<1x10000xf32, #tpu.memory_space<vmem>>, vector<1x10000xf32>
    %add3A = arith.addf %get3A_1, %get3A_4 : vector<1x10000xf32>
    %add3A_5 = arith.constant 1.000000e+00 : f32
    %add3A_6 = vector.broadcast %add3A_5 : f32 to vector<1x10000xf32>
    %add3A_7 = arith.addf %add3A, %add3A_6 : vector<1x10000xf32>
    %rsqrt3A = math.rsqrt %add3A_7 : vector<1x10000xf32>
    %swap3A = arith.constant 0 : index
    %swap3A_8 = arith.constant 0 : index
    %swap3A_9 = vector.load %arg2[%swap3A, %swap3A_8] : memref<1x10000xf32, #tpu.memory_space<vmem>>, vector<1x10000xf32>
    tpu.vector_store %arg2[%swap3A, %swap3A_8], %rsqrt3A {strides = array<i32>} : memref<1x10000xf32, #tpu.memory_space<vmem>>, vector<1x10000xf32>,
    return
  }
}

module attributes {stable_mosaic.version = 14 : i64} {
  func.func @_mid_body(%arg0: memref<10000x16xf32, #tpu.memory_space<vmem>>, %arg1: memref<10000x16xf32, #tpu.memory_space<vmem>>, %arg2: memref<10000x16xf32, #tpu.memory_space<vmem>>, %arg3: memref<10000x1xf32, #tpu.memory_space<vmem>>, %arg4: memref<1x16xf32, #tpu.memory_space<vmem>>, %arg5: memref<10000x16xf32, #tpu.memory_space<vmem>>) attributes {dimension_semantics = [], scalar_prefetch = 0 : i64, scratch_operands = 0 : i64, tpu.core_type = #tpu.core_type<tc>} {
    %get3A = arith.constant 0 : index
    %get3A_0 = arith.constant 0 : index
    %get3A_1 = vector.load %arg0[%get3A, %get3A_0] : memref<10000x16xf32, #tpu.memory_space<vmem>>, vector<10000x16xf32>
    %get3A_2 = arith.constant 0 : index
    %get3A_3 = arith.constant 0 : index
    %get3A_4 = vector.load %arg1[%get3A_2, %get3A_3] : memref<10000x16xf32, #tpu.memory_space<vmem>>, vector<10000x16xf32>
    %add3A = arith.addf %get3A_1, %get3A_4 : vector<10000x16xf32>
    %get3A_5 = arith.constant 0 : index
    %get3A_6 = arith.constant 0 : index
    %get3A_7 = vector.load %arg2[%get3A_5, %get3A_6] : memref<10000x16xf32, #tpu.memory_space<vmem>>, vector<10000x16xf32>
    %add3A_8 = arith.addf %add3A, %get3A_7 : vector<10000x16xf32>
    %get3A_9 = arith.constant 0 : index
    %get3A_10 = arith.constant 0 : index
    %get3A_11 = vector.load %arg3[%get3A_9, %get3A_10] : memref<10000x1xf32, #tpu.memory_space<vmem>>, vector<10000x1xf32>
    %mul3A = vector.broadcast %get3A_11 : vector<10000x1xf32> to vector<10000x16xf32>
    %mul3A_12 = arith.mulf %add3A_8, %mul3A : vector<10000x16xf32>
    %get3A_13 = arith.constant 0 : index
    %get3A_14 = arith.constant 0 : index
    %get3A_15 = vector.load %arg4[%get3A_13, %get3A_14] : memref<1x16xf32, #tpu.memory_space<vmem>>, vector<1x16xf32>
    %add3A_16 = vector.broadcast %get3A_15 : vector<1x16xf32> to vector<10000x16xf32>
    %add3A_17 = arith.addf %mul3A_12, %add3A_16 : vector<10000x16xf32>
    %max3A = arith.constant 0.000000e+00 : f32
    %max3A_18 = vector.broadcast %max3A : f32 to vector<10000x16xf32>
    %max3A_19 = arith.maximumf %add3A_17, %max3A_18 : vector<10000x16xf32>
    %get3A_20 = arith.constant 0 : index
    %get3A_21 = arith.constant 0 : index
    %get3A_22 = vector.load %arg3[%get3A_20, %get3A_21] : memref<10000x1xf32, #tpu.memory_space<vmem>>, vector<10000x1xf32>
    %mul3A_23 = vector.broadcast %get3A_22 : vector<10000x1xf32> to vector<10000x16xf32>
    %mul3A_24 = arith.mulf %max3A_19, %mul3A_23 : vector<10000x16xf32>
    %swap3A = arith.constant 0 : index
    %swap3A_25 = arith.constant 0 : index
    %swap3A_26 = vector.load %arg5[%swap3A, %swap3A_25] : memref<10000x16xf32, #tpu.memory_space<vmem>>, vector<10000x16xf32>
    tpu.vector_store %arg5[%swap3A, %swap3A_25], %mul3A_24 {strides = array<i32>} : memref<10000x16xf32, #tpu.memory_space<vmem>>, vector<10000x16xf32>,
    return
  }
}

module attributes {stable_mosaic.version = 14 : i64} {
  func.func @_out_body(%arg0: memref<10000x16xf32, #tpu.memory_space<vmem>>, %arg1: memref<10000x16xf32, #tpu.memory_space<vmem>>, %arg2: memref<10000x16xf32, #tpu.memory_space<vmem>>, %arg3: memref<10000x1xf32, #tpu.memory_space<vmem>>, %arg4: memref<16x64xf32, #tpu.memory_space<vmem>>, %arg5: memref<1x64xf32, #tpu.memory_space<vmem>>, %arg6: memref<10000x64xf32, #tpu.memory_space<vmem>>) attributes {dimension_semantics = [], scalar_prefetch = 0 : i64, scratch_operands = 0 : i64, tpu.core_type = #tpu.core_type<tc>} {
    %get3A = arith.constant 0 : index
    %get3A_0 = arith.constant 0 : index
    %get3A_1 = vector.load %arg0[%get3A, %get3A_0] : memref<10000x16xf32, #tpu.memory_space<vmem>>, vector<10000x16xf32>
    %get3A_2 = arith.constant 0 : index
    %get3A_3 = arith.constant 0 : index
    %get3A_4 = vector.load %arg1[%get3A_2, %get3A_3] : memref<10000x16xf32, #tpu.memory_space<vmem>>, vector<10000x16xf32>
    %add3A = arith.addf %get3A_1, %get3A_4 : vector<10000x16xf32>
    %get3A_5 = arith.constant 0 : index
    %get3A_6 = arith.constant 0 : index
    %get3A_7 = vector.load %arg2[%get3A_5, %get3A_6] : memref<10000x16xf32, #tpu.memory_space<vmem>>, vector<10000x16xf32>
    %add3A_8 = arith.addf %add3A, %get3A_7 : vector<10000x16xf32>
    %get3A_9 = arith.constant 0 : index
    %get3A_10 = arith.constant 0 : index
    %get3A_11 = vector.load %arg3[%get3A_9, %get3A_10] : memref<10000x1xf32, #tpu.memory_space<vmem>>, vector<10000x1xf32>
    %mul3A = vector.broadcast %get3A_11 : vector<10000x1xf32> to vector<10000x16xf32>
    %mul3A_12 = arith.mulf %add3A_8, %mul3A : vector<10000x16xf32>
    %get3A_13 = arith.constant 0 : index
    %get3A_14 = arith.constant 0 : index
    %get3A_15 = vector.load %arg4[%get3A_13, %get3A_14] : memref<16x64xf32, #tpu.memory_space<vmem>>, vector<16x64xf32>
    %dot_general3A = arith.constant dense<0.000000e+00> : vector<10000x64xf32>
    %dot_general3A_16 = tpu.matmul %mul3A_12, %get3A_15, %dot_general3A {dimension_numbers = #tpu.dot_dimension_numbers<[1], [0], [0], [1], [0, 0, 1, 1], [], []>, transpose_lhs_hint = false} : vector<10000x16xf32>, vector<16x64xf32>, vector<10000x64xf32> -> vector<10000x64xf32>
    %get3A_17 = arith.constant 0 : index
    %get3A_18 = arith.constant 0 : index
    %get3A_19 = vector.load %arg5[%get3A_17, %get3A_18] : memref<1x64xf32, #tpu.memory_space<vmem>>, vector<1x64xf32>
    %add3A_20 = vector.broadcast %get3A_19 : vector<1x64xf32> to vector<10000x64xf32>
    %add3A_21 = arith.addf %dot_general3A_16, %add3A_20 : vector<10000x64xf32>
    %swap3A = arith.constant 0 : index
    %swap3A_22 = arith.constant 0 : index
    %swap3A_23 = vector.load %arg6[%swap3A, %swap3A_22] : memref<10000x64xf32, #tpu.memory_space<vmem>>, vector<10000x64xf32>
    tpu.vector_store %arg6[%swap3A, %swap3A_22], %add3A_21 {strides = array<i32>} : memref<10000x64xf32, #tpu.memory_space<vmem>>, vector<10000x64xf32>,
    return
  }
}

</mosaic_0001>

<sc_bundles>
// kernel: kernel.12.cloned.1.call-start
scs
__scs_entry_jumppad:
0x0: {  	(pc) =	sbr.rel $0x88, $3  }
0x1: {  	(tag) =	ssettag $0x0;
	lr =	simm.s32 $0x1  }
0x2: {  	[smem:$0x3F9B] =	sst lr;
	_ =	strace $0xD0000000  }
0x3: {  	_ = 	snop  }
0x4: {  	_ = 	snop  }
0x5: {  	_ = 	snop  }
0x6: {  	_ = 	snop  }
0x7: {  	_ = 	snop  }
__scs_overlays_trampoline_lowered:
0x8: {  	[smem:$0x3FAA] =	sst s0  }
0x9: {  	[smem:$0x3FAB] =	sst s1  }
0xa: {  	[smem:$0x3FAC] =	sst s2  }
0xb: {  	[smem:$0x3FAD] =	sst s3  }
0xc: {  	[smem:$0x3FAE] =	sst s4  }
0xd: {  	[smem:$0x3FAF] =	sst s5  }
0xe: {  	[smem:$0x3FB0] =	sst s6  }
0xf: {  	[smem:$0x3FB1] =	sst s7  }
0x10: {  	[smem:$0x3FB2] =	sst s8  }
0x11: {  	[smem:$0x3FB3] =	sst s9;
	s0 =	simm.s32 @!p0 $0x0  }
0x12: {  	s1 =	sld [smem:$0x3F99];
	s0 =	simm.s32 @p0 $0x1  }
0x13: {  	[smem:$0x3FB4] =	sst s0;
	s0 =	simm.s32 @!p1 $0x0  }
0x14: {  	s2 =	sld [smem:$0x3F98];
	s0 =	simm.s32 @p1 $0x1  }
0x15: {  	[smem:$0x3FB5] =	sst s0;
	s0 =	simm.s32 @!p2 $0x0  }
0x16: {  	s3 =	sld [smem:$0x3FDB];
	s0 =	simm.s32 @p2 $0x1  }
0x17: {  	s4 =	simm.s32 $0x1BF5;
	[smem:$0x3FB7] =	sst s0  }
0x18: {  	s0 =	sld [smem:$0x3F9A];
	_ =	swait.ge [sflag:s4], $0x0  }
0x19: {  	s7 =	sld [smem:$0x3F9B]  }
0x1a: {  	s8 =	sadd.s32 $0xFFFFE003, lr  }
0x1b: {  	s9 =	sadd.s32 $0xFFFFFEF7, lr;
	s5 =	simm.s32 $0xFFFFFFFF;
	p2 =	slt.u32 s8, $0xFFFFF086  }
0x1c: {  	p1 =	slt.u32 s9, $0xF7A;
	s5 =	simm.s32 @!p2 $0x0  }
0x1d: {  	s5 =	simm.s32 @p1 $0x1;
	p0 =	seq.s32 s7, s2  }
0x1e: {  	s7 =	smul.u32 @!p0 $0xF7A, s2;
	p2 =	seq.s32 @!p0 s5, $0x0  }
0x1f: {  	s9 =	smul.u32 $0xF7A, s1;
	s8 =	simm.s32 @!p0 $0x1BF5;
	p2 =	por !p2, p0  }
0x20: {  	[sflag:s8] =	ssyncset.s32 @!p0 $0xFFFFF086;
	s6 =	sadd.s32 @!p0 s3, s7;
	s7 =	simm.s32 @!p0 $0x108  }
0x21: {  	s3 =	sadd.s32 s3, s9;
	s6 =	sadd.s32 @!p0 $0x88, s6;
	s7 =	simm.s32 @p2 $0x1082  }
0x22: {  	[simem:s7], [sflag:s8] =	dma.local @!p0 [hbm:s6], $0xF7A  }
0x23: {  	s9 =	sor.u32 $0xD0000000, s2;
	s6 =	simm.s32 $0x108;
	_ =	swait.ge @!p0 [sflag:s8], $0x0  }
0x24: {  	s3 =	sadd.s32 $0x88, s3;
	s6 =	simm.s32 @!p1 $0x1082;
	[sflag:s4] =	ssyncset.s32 $0xFFFFF086  }
0x25: {  	[simem:s6], [sflag:s4] =	dma.local [hbm:s3], $0xF7A  }
0x26: {  	[smem:$0x3F9B] =	sst s1;
	(tag) =	ssettag s2;
	_ =	strace s9  }
0x27: {  	s1 =	sld [smem:$0x3FAB]  }
0x28: {  	s2 =	sld [smem:$0x3FAC]  }
0x29: {  	s4 =	sld [smem:$0x3FAE]  }
0x2a: {  	p0 =	seq.s32 s5, $0x0;
	s5 =	sld [smem:$0x3FAF]  }
0x2b: {  	s6 =	sld [smem:$0x3FB0]  }
0x2c: {  	s7 =	sld [smem:$0x3FB1]  }
0x2d: {  	s3 =	simm.s32 $0x108;
	s8 =	sld [smem:$0x3FB2]  }
0x2e: {  	s3 =	simm.s32 @!p0 $0x1082;
	s9 =	sld [smem:$0x3FB3]  }
0x2f: {  	lr =	sadd.s32 s0, s3;
	s0 =	sld [smem:$0x3FAA]  }
0x30: {  	s3 =	sld [smem:$0x3FAD]  }
0x31: {  	[smem:$0x3FB6] =	sst s10  }
0x32: {  	s10 =	sld [smem:$0x3FB4];
	_ =	sdelay $0x3  }
0x33: {  	p0 =	seq.s32 s10, $0x1;
	s10 =	sld [smem:$0x3FB6];
	_ =	sdelay $0x3  }
0x34: {  	[smem:$0x3FB6] =	sst s10  }
0x35: {  	s10 =	sld [smem:$0x3FB5];
	_ =	sdelay $0x3  }
0x36: {  	p1 =	seq.s32 s10, $0x1;
	s10 =	sld [smem:$0x3FB6];
	_ =	sdelay $0x3  }
0x37: {  	[smem:$0x3FB6] =	sst s10  }
0x38: {  	s10 =	sld [smem:$0x3FB7]  }
0x39: {  	_ = 	snop;
	(pc) =	sbr.ind lr, $3  }
0x3a: {  	_ = 	snop  }
0x3b: {  	_ = 	snop  }
0x3c: {  	p2 =	seq.s32 s10, $0x1;
	s10 =	sld [smem:$0x3FB6]  }
0x3d: {  	_ =	shalt  }
0x3e: {  	_ =	shalt  }
0x3f: {  	_ =	shalt  }
0x40: {  	_ =	shalt  }
0x41: {  	_ =	shalt  }
0x42: {  	_ =	shalt  }
0x43: {  	_ =	shalt  }
0x44: {  	_ =	shalt  }
0x45: {  	_ =	shalt  }
0x46: {  	_ =	shalt  }
0x47: {  	_ =	shalt  }
0x48: {  	_ =	shalt  }
0x49: {  	_ =	shalt  }
0x4a: {  	_ =	shalt  }
0x4b: {  	_ =	shalt  }
0x4c: {  	_ =	shalt  }
0x4d: {  	_ =	shalt  }
0x4e: {  	_ =	shalt  }
0x4f: {  	_ =	shalt  }
0x50: {  	_ =	shalt  }
0x51: {  	_ =	shalt  }
0x52: {  	_ =	shalt  }
0x53: {  	_ =	shalt  }
0x54: {  	_ =	shalt  }
0x55: {  	_ =	shalt  }
0x56: {  	_ =	shalt  }
0x57: {  	_ =	shalt  }
0x58: {  	_ =	shalt  }
0x59: {  	_ =	shalt  }
0x5a: {  	_ =	shalt  }
0x5b: {  	_ =	shalt  }
0x5c: {  	_ =	shalt  }
0x5d: {  	_ =	shalt  }
0x5e: {  	_ =	shalt  }
0x5f: {  	_ =	shalt  }
0x60: {  	_ =	shalt  }
0x61: {  	_ =	shalt  }
0x62: {  	_ =	shalt  }
0x63: {  	_ =	shalt  }
0x64: {  	_ =	shalt  }
0x65: {  	_ =	shalt  }
0x66: {  	_ =	shalt  }
0x67: {  	_ =	shalt  }
0x68: {  	_ =	shalt  }
0x69: {  	_ =	shalt  }
0x6a: {  	_ =	shalt  }
0x6b: {  	_ =	shalt  }
0x6c: {  	_ =	shalt  }
0x6d: {  	_ =	shalt  }
0x6e: {  	_ =	shalt  }
0x6f: {  	_ =	shalt  }
0x70: {  	_ =	shalt  }
0x71: {  	_ =	shalt  }
0x72: {  	_ =	shalt  }
0x73: {  	_ =	shalt  }
0x74: {  	_ =	shalt  }
0x75: {  	_ =	shalt  }
0x76: {  	_ =	shalt  }
0x77: {  	_ =	shalt  }
0x78: {  	_ =	shalt  }
0x79: {  	_ =	shalt  }
0x7a: {  	_ =	shalt  }
0x7b: {  	_ =	shalt  }
0x7c: {  	_ =	shalt  }
0x7d: {  	_ =	shalt  }
0x7e: {  	_ =	shalt  }
0x7f: {  	_ =	shalt  }
0x80: {  	_ =	shalt  }
0x81: {  	_ =	shalt  }
0x82: {  	_ =	shalt  }
0x83: {  	_ =	shalt  }
0x84: {  	_ =	shalt  }
0x85: {  	_ =	shalt  }
0x86: {  	_ =	shalt  }
0x87: {  	_ =	shalt  }
.Lfunc_end0:
.L_simem_size_0:
called_computation.1_lowered:
.L_overlay_start_0:
0x88: {  	s2 =	sld [smem:$0x3FD9]  }
0x89: {  	s3 =	sld [smem:$0x3FFE];
	_ =	sdelay $0x1  }
0x8a: {  	s1 =	srdreg.scid  }
0x8b: {  	s0 =	sand.u32 $0x1, s1  }
0x8c: {  	s17 =	sshll.u32 s0, $0xA;
	s2 =	sadd.s32 s3, s2  }
0x8d: {  	s2 =	sadd.s32 s2, s17  }
0x8e: {  	[smem:$0x3FC2] =	sst s2  }
0x8f: {  	_ = 	snop  }
0x90: {  	s2 =	sld [smem:$0x3FD0];
	(tm) =	ssettm $0x1  }
0x91: {  	s18 =	sld [smem:$0x3FFB];
	_ =	sdelay $0x3  }
0x92: {  	_ =	strace s18  }
0x93: {  	s3 =	sld [smem:$0x3FFC];
	_ =	sdelay $0x3  }
0x94: {  	_ =	strace s3  }
0x95: {  	s3 =	sld [smem:$0x3FFD];
	_ =	sdelay $0x3  }
0x96: {  	_ =	strace s3  }
0x97: {  	_ =	strace $0x8FFFFFFF  }
0x98: {  	s19 =	sld [smem:$0x3FDB];
	_ =	sdelay $0x1  }
0x99: {  	s4 =	simm.s32 $_scs_section_size  }
0x9a: {  	s5 =	simm.s32 $_size__tile_overlayer_lowered;
	s6 =	simm.s32 $_tile_overlayer_lowered  }
0x9b: {  	s22 =	simm.s32 $0x1BFF;
	s21 =	sshll.u32 s6, $0x1;
	s3 =	sadd.s32 s4, s19  }
0x9c: {  	s7 =	simm.s32 $0x0;
	s20 =	sshll.u32 s5, $0x1;
	s5 =	sadd.s32 s21, s3  }
0x9d: {  	[timem:s7], [sflag:s22] =	dma.local [hbm:s5], s20  }
0x9e: {  	_ =	swait.ge [sflag:s22], s20  }
0x9f: {  	s4 =	ssub.s32 $0x0, s20;
	[sflag:s22] =	ssyncset.done $0x0  }
0xa0: {  	[sflag:s22] =	ssyncadd.s32 s4;
	_ =	sdelay $0x1  }
0xa1: {  	s23 =	simm.s32 $0x1B8B  }
0xa2: {  	_ =	swait.ge [sflag:s23], $0x1  }
0xa3: {  	[sflag:s23] =	ssyncset.done $0x0  }
0xa4: {  	s25 =	simm.s32 $0x1B8E;
	s24 =	sld [smem:$0x3FFE];
	[sflag:s23] =	ssyncadd.s32 $0xFFFFFFFF  }
0xa5: {  	s26 =	simm.s32 $execute0_lowered;
	[smem:$0x3FD2] =	sst s25  }
0xa6: {  	s5 =	sshll.u32 s26, $0x1;
	_ =	strace $0x80000049;
	[dreg:$0x1] =	wrdreg $0xFFFFFFFF  }
0xa7: {  	s28 =	simm.s32 $_size_execute0_lowered;
	s3 =	sadd.s32 s3, s5;
	[dreg:$0x0] =	wrdreg $0x0  }
0xa8: {  	s5 =	sshll.u32 s28, $0x1;
	[dreg:$0x2] =	wrdreg s3  }
0xa9: {  	[dreg:$0x3] =	wrdreg s5  }
0xaa: {  	[dreg:$0x4] =	wrdreg $0xC0  }
0xab: {  	_ =	task [dreg:s7], $0x5FFFF  }
0xac: {  	[dreg:$0x1] =	wrdreg $0xFFFFFFFF  }
0xad: {  	[dreg:$0x0] =	wrdreg $0x60  }
0xae: {  	[dreg:$0x2] =	wrdreg s24  }
0xaf: {  	[dreg:$0x3] =	wrdreg s2  }
0xb0: {  	[dreg:$0x4] =	wrdreg $0x57000  }
0xb1: {  	[dreg:$0x5] =	wrdreg $0x9  }
0xb2: {  	_ =	task.clear_ibuf [dreg:s7], $0x6FFFF;
	_ =	strace $0x90000049  }
0xb3: {  	s29 =	simm.s32 $0x9;
	_ =	strace $0x8000004B  }
0xb4: {  	_ =	swait.ge [sflag:s29], $0x1  }
0xb5: {  	[sflag:s29] =	ssyncadd.s32 $0xFFFFFFFF  }
0xb6: {  	_ =	strace $0x9000004B  }
0xb7: {  	_ =	sfence  }
0xb8: {  	s30 =	sld [smem:$0x0];
	_ =	sdelay $0x2  }
0xb9: {  	s31 =	sshll.u32 s1, $0xD;
	s1 =	sshrl.u32 s1, $0x2  }
0xba: {  	s3 =	sand.u32 $0x4000, s31;
	s1 =	sadd.s32 s1, s30  }
0xbb: {  	s0 =	sor.u32 s3, s0;
	s1 =	sshll.u32 s1, $0x11  }
0xbc: {  	s0 =	sor.u32 s1, s0  }
0xbd: {  	s0 =	sadd.s32 $0x8F2B, s0  }
0xbe: {  	[sflag:s0] =	ssyncadd.remote.s32 $0x1  }
0xbf: {  	_ =	sfence.sel $0xFFFF  }
0xc0: {  	[dreg:$0x0] =	wrdreg $0xFFFFFFFF;
	(pc) =	sbr.abs _section_cstart, $3  }
0xc1: {  	[dreg:$0x1] =	wrdreg $0xFFFFFFFF  }
0xc2: {  	_ =	task.clear_ibuf [dreg:s7], $0x2FFFF;
	_ =	strace $0x9FFFFFFF  }
0xc3: {  	(tm) =	ssettm $0x7FFFFFFF  }
tec
execute0_lowered:
.L_overlay_start_1:
0x0: {  	(tag) =	ssettag $0x1  }
0x1: {  	s5 =	rddreg [dreg:$0x0]  }
0x2: {  	s0 =	srdreg.scid;
	s9 =	rddreg [dreg:$0x1]  }
0x3: {  	s2 =	rddreg [dreg:$0x2];
	s3 =	simm.s32 $0x0;
	s13 =	simm.s32 $0x2780  }
0x4: {  	s14 =	simm.s32 $0x80;
	s15 =	simm.s32 $0x4F00;
	s16 =	simm.s32 $0x1  }
0x5: {  	s17 =	simm.s32 $0x0;
	s6 =	sand.u32 $0x1, s0;
	s0 =	stileid.u32  }
0x6: {  	[smem:$0x7FF] =	sst s3;
	s1 =	sshll.u32 s6, $0x4;
	s7 =	smul.u32 $0x2800, s0  }
0x7: {  	s11 =	ssub.s32 $0x2, s6;
	s12 =	smul.u32 $0x28000, s6;
	s31 =	sshll.u32 s0, $0x6  }
0x8: {  	s4 =	sor.u32 s0, s1;
	s1 =	rddreg [dreg:$0x3];
	_ =	strace $0x8000004A  }
0x9: {  	s29 =	sshrl.u32 s11, $0x1;
	s6 =	sor.u32 $0x1C02, s31;
	s4 =	smul.u32 $0x4F0, s4  }
0xa: {  	s10 =	sshrl.u32 s7, $0x3;
	s30 =	sadd.s32 s7, s2;
	s12 =	sadd.s32 s7, s12  }
0xb: {  	s12 =	sshrl.u32 s12, $0x3;
	s8 =	sadd.s32 s4, s5;
	s4 =	sadd.s32 $0x3CE00, s5  }
0xc: {  	s5 =	sadd.s32 s10, s5;
	s10 =	ssub.s32 s11, s29;
	s9 =	sadd.s32 s9, s12  }
0xd: {  	s11 =	sshrl.u32 s30, $0x3;
	s12 =	simm.s32 $0x2;
	s5 =	sadd.s32 $0x41E00, s5  }
0xe: {  	s7 =	sadd.s32 $0x2000, s8;
	s8 =	sadd.s32 $0xBE00, s8;
	s10 =	smax.u32 s10, $0x1  }
.LBB2_1:
0xf: {  	[spmem:s11], [sflag:s6] =	dma.local [hbm:s5], $0x500  }
0x10: {  	_ =	swait.ge [sflag:s12], $0x500  }
0x11: {  	[sflag:s12] =	ssyncset.done $0x0  }
0x12: {  	[sflag:s12] =	ssyncadd.s32 $0xFFFFFB00  }
0x13: {  	[tilespmem:s3], [sflag:$0x2] =	stream.linear.gather [hbm4b:s7+s3], $0x2780, $0x38;
	[tilespmem:$0x7F00] =	vst v63  }
0x14: {  	_ =	swait.ge [sflag:s12], $0x2780  }
0x15: {  	[sflag:s12] =	ssyncset.done $0x0  }
0x16: {  	[sflag:s12] =	ssyncadd.s32 $0xFFFFD880  }
0x17: {  	[tilespmem:s13], [sflag:$0x2] =	stream.linear.gather [hbm4b:s8+s3], $0x2780, $0x38;
	[tilespmem:$0x7F00] =	vst v63  }
0x18: {  	_ =	swait.ge [sflag:s12], $0x2780  }
0x19: {  	[sflag:s12] =	ssyncset.done $0x0  }
0x1a: {  	[sflag:s12] =	ssyncadd.s32 $0xFFFFD880  }
0x1b: {  	s18 =	simm.s32 $0x0;
	[bflag:$0x0] =	sbarrier.arrive $0xFFFF  }
0x1c: {  	[tilespmem:s15], [sflag:$0x1] =	stream.indirect.gather [hbm4b:s4+s14], $0x10, s18, s14, $0xb8;
	[tilespmem:$0x7F00] =	vst v63  }
0x1d: {  	_ =	swait.ge [sflag:s16], $0x800  }
0x1e: {  	[sflag:s16] =	ssyncset.done $0x0  }
0x1f: {  	s31 =	simm.s32 $0x2780;
	[sflag:s16] =	ssyncadd.s32 $0xFFFFF800  }
0x20: {  	[spmem:s2] =	stream.indirect.scatter.add.f32 [tilespmem:s15], [sflag:$0x2], $0x10, s31, s14, $0xb8;
	[tilespmem:$0x7F00] =	vst v63  }
0x21: {  	_ =	swait.ge [sflag:s12], $0x800  }
0x22: {  	s19 =	simm.s32 $0x400;
	s18 =	simm.s32 $0x200;
	[sflag:s12] =	ssyncset.done $0x0  }
.LBB2_2:
0x23: {  	s20 =	sshra.s32 s18, $0x2  }
0x24: {  	[sflag:s12] =	ssyncadd.s32 $0xFFFFF800;
	s18 =	smov.u32 s19;
	s21 =	sadd.s32 $0x200, s19  }
0x25: {  	[tilespmem:s15], [sflag:$0x1] =	stream.indirect.gather [hbm4b:s4+s14], $0x10, s20, s14, $0xb8;
	[tilespmem:$0x7F00] =	vst v63  }
0x26: {  	p0 =	sne.s32 s19, $0x9C00;
	_ =	swait.ge [sflag:s16], $0x800  }
.Ltmp0:
0x27: {  	[sflag:s16] =	ssyncset.done $0x0;
	(pc) =	sbr.rel @p0 .LBB2_2-.Ltmp0, $4  }
0x28: {  	s19 =	sadd.s32 $0x2780, s20;
	[sflag:s16] =	ssyncadd.s32 $0xFFFFF800  }
0x29: {  	[spmem:s2] =	stream.indirect.scatter.add.f32 [tilespmem:s15], [sflag:$0x2], $0x10, s19, s14, $0xb8;
	[tilespmem:$0x7F00] =	vst v63  }
0x2a: {  	_ =	swait.ge [sflag:s12], $0x800  }
0x2b: {  	s19 =	smov.u32 s21;
	[sflag:s12] =	ssyncset.done $0x0  }
0x2c: {  	s18 =	sshra.s32 s18, $0x2;
	[sflag:s12] =	ssyncadd.s32 $0xFFFFF800  }
0x2d: {  	[tilespmem:s15], [sflag:$0x1] =	stream.indirect.gather [hbm4b:s4+s14], $0x10, s18, s14, $0xb8;
	[tilespmem:$0x7F00] =	vst v63  }
0x2e: {  	_ =	swait.ge [sflag:s16], $0x800  }
0x2f: {  	[sflag:s16] =	ssyncset.done $0x0  }
0x30: {  	s18 =	sadd.s32 $0x2780, s18;
	[sflag:s16] =	ssyncadd.s32 $0xFFFFF800  }
0x31: {  	[spmem:s2] =	stream.indirect.scatter.add.f32 [tilespmem:s15], [sflag:$0x2], $0x10, s18, s14, $0xb8;
	[tilespmem:$0x7F00] =	vst v63  }
0x32: {  	_ =	swait.ge [sflag:s12], $0x800  }
0x33: {  	s17 =	sadd.s32 $0x1, s17;
	[sflag:s12] =	ssyncset.done $0x0  }
0x34: {  	p0 =	sne.s32 s17, s10;
	[sflag:s12] =	ssyncadd.s32 $0xFFFFF800  }
.Ltmp1:
0x35: {  	[bflag:$0x0] =	sbarrier.arrive $0xFFFF;
	(pc) =	sbr.rel @p0 .LBB2_1-.Ltmp1, $4  }
0x36: {  	[hbm:s9], [sflag:s6] =	dma.local [spmem:s11], $0x500  }
0x37: {  	_ =	swait.ge [sflag:s12], $0x500  }
0x38: {  	[sflag:s12] =	ssyncset.done $0x0  }
0x39: {  	[sflag:s12] =	ssyncadd.s32 $0xFFFFFB00  }
0x3a: {  	_ =	sfence.sel $0x180000  }
0x3b: {  	[bflag:$0x0] =	sbarrier.arrive $0xFFFF  }
0x3c: {  	p0 =	sne.s32 s0, $0x0;
	_ =	strace $0x9000004A  }
0x3d: {  	s0 =	sadd.s32 @!p0 $0x100000, s1;
	[bflag:$0x2] =	sbarrier.arrive $0xFFFF  }
0x3e: {  	[sflag:s0] =	ssyncadd.tile.s32 @!p0 $0x1;
	_ =	shalt  }
.Lfunc_end2:
_tile_overlayer_lowered:
.L_overlay_start_2:
0x3f: {  	(tag) =	ssettag $0x2  }
0x40: {  	s0 =	rddreg [dreg:$0x0];
	s2 =	stileid.u32  }
0x41: {  	s1 =	rddreg [dreg:$0x1];
	p0 =	sne.s32 s2, $0x0  }
0x42: {  	s3 =	rddreg [dreg:$0x2];
	[bflag:$0x3] =	sbarrier.arrive $0xFFFF;
	s2 =	simm.s32 @!p0 $0x1C02  }
0x43: {  	[timem:s3], [sflag:s2] =	dma.local @!p0 [hbm:s0], s1  }
0x44: {  	s0 =	simm.s32 @!p0 $0x2  }
0x45: {  	_ =	swait.ge @!p0 [sflag:s0], s1  }
0x46: {  	s1 =	ssub.s32 @!p0 $0x0, s1;
	[sflag:s0] =	ssyncset.done @!p0 $0x0  }
0x47: {  	[sflag:s0] =	ssyncadd.s32 @!p0 s1  }
0x48: {  	[bflag:$0x3] =	sbarrier.arrive $0xFFFF  }
0x49: {  	_ =	shalt  }

// kernel: kernel.15.cloned.1.call-start
scs
__scs_entry_jumppad:
0x0: {  	(pc) =	sbr.rel $0x88, $3  }
0x1: {  	(tag) =	ssettag $0x0;
	lr =	simm.s32 $0x1  }
0x2: {  	[smem:$0x3F9B] =	sst lr;
	_ =	strace $0xD0000000  }
0x3: {  	_ = 	snop  }
0x4: {  	_ = 	snop  }
0x5: {  	_ = 	snop  }
0x6: {  	_ = 	snop  }
0x7: {  	_ = 	snop  }
__scs_overlays_trampoline_lowered:
0x8: {  	[smem:$0x3FAA] =	sst s0  }
0x9: {  	[smem:$0x3FAB] =	sst s1  }
0xa: {  	[smem:$0x3FAC] =	sst s2  }
0xb: {  	[smem:$0x3FAD] =	sst s3  }
0xc: {  	[smem:$0x3FAE] =	sst s4  }
0xd: {  	[smem:$0x3FAF] =	sst s5  }
0xe: {  	[smem:$0x3FB0] =	sst s6  }
0xf: {  	[smem:$0x3FB1] =	sst s7  }
0x10: {  	[smem:$0x3FB2] =	sst s8  }
0x11: {  	[smem:$0x3FB3] =	sst s9;
	s0 =	simm.s32 @!p0 $0x0  }
0x12: {  	s1 =	sld [smem:$0x3F99];
	s0 =	simm.s32 @p0 $0x1  }
0x13: {  	[smem:$0x3FB4] =	sst s0;
	s0 =	simm.s32 @!p1 $0x0  }
0x14: {  	s2 =	sld [smem:$0x3F98];
	s0 =	simm.s32 @p1 $0x1  }
0x15: {  	[smem:$0x3FB5] =	sst s0;
	s0 =	simm.s32 @!p2 $0x0  }
0x16: {  	s3 =	sld [smem:$0x3FDB];
	s0 =	simm.s32 @p2 $0x1  }
0x17: {  	s4 =	simm.s32 $0x1BF5;
	[smem:$0x3FB7] =	sst s0  }
0x18: {  	s0 =	sld [smem:$0x3F9A];
	_ =	swait.ge [sflag:s4], $0x0  }
0x19: {  	s7 =	sld [smem:$0x3F9B]  }
0x1a: {  	s8 =	sadd.s32 $0xFFFFE003, lr  }
0x1b: {  	s9 =	sadd.s32 $0xFFFFFEF7, lr;
	s5 =	simm.s32 $0xFFFFFFFF;
	p2 =	slt.u32 s8, $0xFFFFF086  }
0x1c: {  	p1 =	slt.u32 s9, $0xF7A;
	s5 =	simm.s32 @!p2 $0x0  }
0x1d: {  	s5 =	simm.s32 @p1 $0x1;
	p0 =	seq.s32 s7, s2  }
0x1e: {  	s7 =	smul.u32 @!p0 $0xF7A, s2;
	p2 =	seq.s32 @!p0 s5, $0x0  }
0x1f: {  	s9 =	smul.u32 $0xF7A, s1;
	s8 =	simm.s32 @!p0 $0x1BF5;
	p2 =	por !p2, p0  }
0x20: {  	[sflag:s8] =	ssyncset.s32 @!p0 $0xFFFFF086;
	s6 =	sadd.s32 @!p0 s3, s7;
	s7 =	simm.s32 @!p0 $0x108  }
0x21: {  	s3 =	sadd.s32 s3, s9;
	s6 =	sadd.s32 @!p0 $0x88, s6;
	s7 =	simm.s32 @p2 $0x1082  }
0x22: {  	[simem:s7], [sflag:s8] =	dma.local @!p0 [hbm:s6], $0xF7A  }
0x23: {  	s9 =	sor.u32 $0xD0000000, s2;
	s6 =	simm.s32 $0x108;
	_ =	swait.ge @!p0 [sflag:s8], $0x0  }
0x24: {  	s3 =	sadd.s32 $0x88, s3;
	s6 =	simm.s32 @!p1 $0x1082;
	[sflag:s4] =	ssyncset.s32 $0xFFFFF086  }
0x25: {  	[simem:s6], [sflag:s4] =	dma.local [hbm:s3], $0xF7A  }
0x26: {  	[smem:$0x3F9B] =	sst s1;
	(tag) =	ssettag s2;
	_ =	strace s9  }
0x27: {  	s1 =	sld [smem:$0x3FAB]  }
0x28: {  	s2 =	sld [smem:$0x3FAC]  }
0x29: {  	s4 =	sld [smem:$0x3FAE]  }
0x2a: {  	p0 =	seq.s32 s5, $0x0;
	s5 =	sld [smem:$0x3FAF]  }
0x2b: {  	s6 =	sld [smem:$0x3FB0]  }
0x2c: {  	s7 =	sld [smem:$0x3FB1]  }
0x2d: {  	s3 =	simm.s32 $0x108;
	s8 =	sld [smem:$0x3FB2]  }
0x2e: {  	s3 =	simm.s32 @!p0 $0x1082;
	s9 =	sld [smem:$0x3FB3]  }
0x2f: {  	lr =	sadd.s32 s0, s3;
	s0 =	sld [smem:$0x3FAA]  }
0x30: {  	s3 =	sld [smem:$0x3FAD]  }
0x31: {  	[smem:$0x3FB6] =	sst s10  }
0x32: {  	s10 =	sld [smem:$0x3FB4];
	_ =	sdelay $0x3  }
0x33: {  	p0 =	seq.s32 s10, $0x1;
	s10 =	sld [smem:$0x3FB6];
	_ =	sdelay $0x3  }
0x34: {  	[smem:$0x3FB6] =	sst s10  }
0x35: {  	s10 =	sld [smem:$0x3FB5];
	_ =	sdelay $0x3  }
0x36: {  	p1 =	seq.s32 s10, $0x1;
	s10 =	sld [smem:$0x3FB6];
	_ =	sdelay $0x3  }
0x37: {  	[smem:$0x3FB6] =	sst s10  }
0x38: {  	s10 =	sld [smem:$0x3FB7]  }
0x39: {  	_ = 	snop;
	(pc) =	sbr.ind lr, $3  }
0x3a: {  	_ = 	snop  }
0x3b: {  	_ = 	snop  }
0x3c: {  	p2 =	seq.s32 s10, $0x1;
	s10 =	sld [smem:$0x3FB6]  }
0x3d: {  	_ =	shalt  }
0x3e: {  	_ =	shalt  }
0x3f: {  	_ =	shalt  }
0x40: {  	_ =	shalt  }
0x41: {  	_ =	shalt  }
0x42: {  	_ =	shalt  }
0x43: {  	_ =	shalt  }
0x44: {  	_ =	shalt  }
0x45: {  	_ =	shalt  }
0x46: {  	_ =	shalt  }
0x47: {  	_ =	shalt  }
0x48: {  	_ =	shalt  }
0x49: {  	_ =	shalt  }
0x4a: {  	_ =	shalt  }
0x4b: {  	_ =	shalt  }
0x4c: {  	_ =	shalt  }
0x4d: {  	_ =	shalt  }
0x4e: {  	_ =	shalt  }
0x4f: {  	_ =	shalt  }
0x50: {  	_ =	shalt  }
0x51: {  	_ =	shalt  }
0x52: {  	_ =	shalt  }
0x53: {  	_ =	shalt  }
0x54: {  	_ =	shalt  }
0x55: {  	_ =	shalt  }
0x56: {  	_ =	shalt  }
0x57: {  	_ =	shalt  }
0x58: {  	_ =	shalt  }
0x59: {  	_ =	shalt  }
0x5a: {  	_ =	shalt  }
0x5b: {  	_ =	shalt  }
0x5c: {  	_ =	shalt  }
0x5d: {  	_ =	shalt  }
0x5e: {  	_ =	shalt  }
0x5f: {  	_ =	shalt  }
0x60: {  	_ =	shalt  }
0x61: {  	_ =	shalt  }
0x62: {  	_ =	shalt  }
0x63: {  	_ =	shalt  }
0x64: {  	_ =	shalt  }
0x65: {  	_ =	shalt  }
0x66: {  	_ =	shalt  }
0x67: {  	_ =	shalt  }
0x68: {  	_ =	shalt  }
0x69: {  	_ =	shalt  }
0x6a: {  	_ =	shalt  }
0x6b: {  	_ =	shalt  }
0x6c: {  	_ =	shalt  }
0x6d: {  	_ =	shalt  }
0x6e: {  	_ =	shalt  }
0x6f: {  	_ =	shalt  }
0x70: {  	_ =	shalt  }
0x71: {  	_ =	shalt  }
0x72: {  	_ =	shalt  }
0x73: {  	_ =	shalt  }
0x74: {  	_ =	shalt  }
0x75: {  	_ =	shalt  }
0x76: {  	_ =	shalt  }
0x77: {  	_ =	shalt  }
0x78: {  	_ =	shalt  }
0x79: {  	_ =	shalt  }
0x7a: {  	_ =	shalt  }
0x7b: {  	_ =	shalt  }
0x7c: {  	_ =	shalt  }
0x7d: {  	_ =	shalt  }
0x7e: {  	_ =	shalt  }
0x7f: {  	_ =	shalt  }
0x80: {  	_ =	shalt  }
0x81: {  	_ =	shalt  }
0x82: {  	_ =	shalt  }
0x83: {  	_ =	shalt  }
0x84: {  	_ =	shalt  }
0x85: {  	_ =	shalt  }
0x86: {  	_ =	shalt  }
0x87: {  	_ =	shalt  }
.Lfunc_end0:
.L_simem_size_0:
called_computation.2_lowered:
.L_overlay_start_0:
0x88: {  	s2 =	sld [smem:$0x3FD9]  }
0x89: {  	s3 =	sld [smem:$0x3FFE];
	_ =	sdelay $0x1  }
0x8a: {  	s1 =	srdreg.scid  }
0x8b: {  	s0 =	sand.u32 $0x1, s1  }
0x8c: {  	s17 =	sshll.u32 s0, $0xA;
	s2 =	sadd.s32 s3, s2  }
0x8d: {  	s2 =	sadd.s32 s2, s17  }
0x8e: {  	[smem:$0x3FC2] =	sst s2  }
0x8f: {  	_ = 	snop  }
0x90: {  	s2 =	sld [smem:$0x3FD0];
	(tm) =	ssettm $0x1  }
0x91: {  	s18 =	sld [smem:$0x3FFB];
	_ =	sdelay $0x3  }
0x92: {  	_ =	strace s18  }
0x93: {  	s3 =	sld [smem:$0x3FFC];
	_ =	sdelay $0x3  }
0x94: {  	_ =	strace s3  }
0x95: {  	s3 =	sld [smem:$0x3FFD];
	_ =	sdelay $0x3  }
0x96: {  	_ =	strace s3  }
0x97: {  	_ =	strace $0x8FFFFFFF  }
0x98: {  	s19 =	sld [smem:$0x3FDB];
	_ =	sdelay $0x1  }
0x99: {  	s4 =	simm.s32 $_scs_section_size  }
0x9a: {  	s5 =	simm.s32 $_size__tile_overlayer_lowered;
	s6 =	simm.s32 $_tile_overlayer_lowered  }
0x9b: {  	s22 =	simm.s32 $0x1BFF;
	s21 =	sshll.u32 s6, $0x1;
	s3 =	sadd.s32 s4, s19  }
0x9c: {  	s7 =	simm.s32 $0x0;
	s20 =	sshll.u32 s5, $0x1;
	s5 =	sadd.s32 s21, s3  }
0x9d: {  	[timem:s7], [sflag:s22] =	dma.local [hbm:s5], s20  }
0x9e: {  	_ =	swait.ge [sflag:s22], s20  }
0x9f: {  	s4 =	ssub.s32 $0x0, s20;
	[sflag:s22] =	ssyncset.done $0x0  }
0xa0: {  	[sflag:s22] =	ssyncadd.s32 s4;
	_ =	sdelay $0x1  }
0xa1: {  	s23 =	simm.s32 $0x1B8B  }
0xa2: {  	_ =	swait.ge [sflag:s23], $0x1  }
0xa3: {  	[sflag:s23] =	ssyncset.done $0x0  }
0xa4: {  	s25 =	simm.s32 $0x1B8E;
	s24 =	sld [smem:$0x3FFE];
	[sflag:s23] =	ssyncadd.s32 $0xFFFFFFFF  }
0xa5: {  	s26 =	simm.s32 $execute0_lowered;
	[smem:$0x3FD2] =	sst s25  }
0xa6: {  	s5 =	sshll.u32 s26, $0x1;
	_ =	strace $0x8000004C;
	[dreg:$0x1] =	wrdreg $0xFFFFFFFF  }
0xa7: {  	s28 =	simm.s32 $_size_execute0_lowered;
	s3 =	sadd.s32 s3, s5;
	[dreg:$0x0] =	wrdreg $0x0  }
0xa8: {  	s5 =	sshll.u32 s28, $0x1;
	[dreg:$0x2] =	wrdreg s3  }
0xa9: {  	[dreg:$0x3] =	wrdreg s5  }
0xaa: {  	[dreg:$0x4] =	wrdreg $0xC0  }
0xab: {  	_ =	task [dreg:s7], $0x5FFFF  }
0xac: {  	[dreg:$0x1] =	wrdreg $0xFFFFFFFF  }
0xad: {  	[dreg:$0x0] =	wrdreg $0x60  }
0xae: {  	[dreg:$0x2] =	wrdreg s24  }
0xaf: {  	[dreg:$0x3] =	wrdreg s2  }
0xb0: {  	[dreg:$0x4] =	wrdreg $0x57000  }
0xb1: {  	[dreg:$0x5] =	wrdreg $0x9  }
0xb2: {  	_ =	task.clear_ibuf [dreg:s7], $0x6FFFF;
	_ =	strace $0x9000004C  }
0xb3: {  	s29 =	simm.s32 $0x9;
	_ =	strace $0x8000004E  }
0xb4: {  	_ =	swait.ge [sflag:s29], $0x1  }
0xb5: {  	[sflag:s29] =	ssyncadd.s32 $0xFFFFFFFF  }
0xb6: {  	_ =	strace $0x9000004E  }
0xb7: {  	_ =	sfence  }
0xb8: {  	s30 =	sld [smem:$0x0];
	_ =	sdelay $0x2  }
0xb9: {  	s31 =	sshll.u32 s1, $0xD;
	s1 =	sshrl.u32 s1, $0x2  }
0xba: {  	s3 =	sand.u32 $0x4000, s31;
	s1 =	sadd.s32 s1, s30  }
0xbb: {  	s0 =	sor.u32 s3, s0;
	s1 =	sshll.u32 s1, $0x11  }
0xbc: {  	s0 =	sor.u32 s1, s0  }
0xbd: {  	s0 =	sadd.s32 $0x8F2B, s0  }
0xbe: {  	[sflag:s0] =	ssyncadd.remote.s32 $0x1  }
0xbf: {  	_ =	sfence.sel $0xFFFF  }
0xc0: {  	[dreg:$0x0] =	wrdreg $0xFFFFFFFF;
	(pc) =	sbr.abs _section_cstart, $3  }
0xc1: {  	[dreg:$0x1] =	wrdreg $0xFFFFFFFF  }
0xc2: {  	_ =	task.clear_ibuf [dreg:s7], $0x2FFFF;
	_ =	strace $0x9FFFFFFF  }
0xc3: {  	(tm) =	ssettm $0x7FFFFFFF  }
tec
execute0_lowered:
.L_overlay_start_1:
0x0: {  	(tag) =	ssettag $0x1  }
0x1: {  	s5 =	rddreg [dreg:$0x0]  }
0x2: {  	s0 =	srdreg.scid;
	s9 =	rddreg [dreg:$0x1]  }
0x3: {  	s2 =	rddreg [dreg:$0x2];
	s3 =	simm.s32 $0x0;
	s13 =	simm.s32 $0x2780  }
0x4: {  	s14 =	simm.s32 $0x80;
	s15 =	simm.s32 $0x4F00;
	s16 =	simm.s32 $0x1  }
0x5: {  	s17 =	simm.s32 $0x0;
	s6 =	sand.u32 $0x1, s0;
	s0 =	stileid.u32  }
0x6: {  	[smem:$0x7FF] =	sst s3;
	s1 =	sshll.u32 s6, $0x4;
	s7 =	smul.u32 $0x2800, s0  }
0x7: {  	s11 =	ssub.s32 $0x2, s6;
	s12 =	smul.u32 $0x28000, s6;
	s31 =	sshll.u32 s0, $0x6  }
0x8: {  	s4 =	sor.u32 s0, s1;
	s1 =	rddreg [dreg:$0x3];
	_ =	strace $0x8000004D  }
0x9: {  	s29 =	sshrl.u32 s11, $0x1;
	s6 =	sor.u32 $0x1C02, s31;
	s4 =	smul.u32 $0x4F0, s4  }
0xa: {  	s10 =	sshrl.u32 s7, $0x3;
	s30 =	sadd.s32 s7, s2;
	s12 =	sadd.s32 s7, s12  }
0xb: {  	s12 =	sshrl.u32 s12, $0x3;
	s8 =	sadd.s32 s4, s5;
	s4 =	sadd.s32 $0x3CE00, s5  }
0xc: {  	s5 =	sadd.s32 s10, s5;
	s10 =	ssub.s32 s11, s29;
	s9 =	sadd.s32 s9, s12  }
0xd: {  	s11 =	sshrl.u32 s30, $0x3;
	s12 =	simm.s32 $0x2;
	s5 =	sadd.s32 $0x41E00, s5  }
0xe: {  	s7 =	sadd.s32 $0x2000, s8;
	s8 =	sadd.s32 $0xBE00, s8;
	s10 =	smax.u32 s10, $0x1  }
.LBB2_1:
0xf: {  	[spmem:s11], [sflag:s6] =	dma.local [hbm:s5], $0x500  }
0x10: {  	_ =	swait.ge [sflag:s12], $0x500  }
0x11: {  	[sflag:s12] =	ssyncset.done $0x0  }
0x12: {  	[sflag:s12] =	ssyncadd.s32 $0xFFFFFB00  }
0x13: {  	[tilespmem:s3], [sflag:$0x2] =	stream.linear.gather [hbm4b:s7+s3], $0x2780, $0x38;
	[tilespmem:$0x7F00] =	vst v63  }
0x14: {  	_ =	swait.ge [sflag:s12], $0x2780  }
0x15: {  	[sflag:s12] =	ssyncset.done $0x0  }
0x16: {  	[sflag:s12] =	ssyncadd.s32 $0xFFFFD880  }
0x17: {  	[tilespmem:s13], [sflag:$0x2] =	stream.linear.gather [hbm4b:s8+s3], $0x2780, $0x38;
	[tilespmem:$0x7F00] =	vst v63  }
0x18: {  	_ =	swait.ge [sflag:s12], $0x2780  }
0x19: {  	[sflag:s12] =	ssyncset.done $0x0  }
0x1a: {  	[sflag:s12] =	ssyncadd.s32 $0xFFFFD880  }
0x1b: {  	s18 =	simm.s32 $0x0;
	[bflag:$0x0] =	sbarrier.arrive $0xFFFF  }
0x1c: {  	[tilespmem:s15], [sflag:$0x1] =	stream.indirect.gather [hbm4b:s4+s14], $0x10, s18, s14, $0xb8;
	[tilespmem:$0x7F00] =	vst v63  }
0x1d: {  	_ =	swait.ge [sflag:s16], $0x800  }
0x1e: {  	[sflag:s16] =	ssyncset.done $0x0  }
0x1f: {  	s31 =	simm.s32 $0x2780;
	[sflag:s16] =	ssyncadd.s32 $0xFFFFF800  }
0x20: {  	[spmem:s2] =	stream.indirect.scatter.add.f32 [tilespmem:s15], [sflag:$0x2], $0x10, s31, s14, $0xb8;
	[tilespmem:$0x7F00] =	vst v63  }
0x21: {  	_ =	swait.ge [sflag:s12], $0x800  }
0x22: {  	s19 =	simm.s32 $0x400;
	s18 =	simm.s32 $0x200;
	[sflag:s12] =	ssyncset.done $0x0  }
.LBB2_2:
0x23: {  	s20 =	sshra.s32 s18, $0x2  }
0x24: {  	[sflag:s12] =	ssyncadd.s32 $0xFFFFF800;
	s18 =	smov.u32 s19;
	s21 =	sadd.s32 $0x200, s19  }
0x25: {  	[tilespmem:s15], [sflag:$0x1] =	stream.indirect.gather [hbm4b:s4+s14], $0x10, s20, s14, $0xb8;
	[tilespmem:$0x7F00] =	vst v63  }
0x26: {  	p0 =	sne.s32 s19, $0x9C00;
	_ =	swait.ge [sflag:s16], $0x800  }
.Ltmp0:
0x27: {  	[sflag:s16] =	ssyncset.done $0x0;
	(pc) =	sbr.rel @p0 .LBB2_2-.Ltmp0, $4  }
0x28: {  	s19 =	sadd.s32 $0x2780, s20;
	[sflag:s16] =	ssyncadd.s32 $0xFFFFF800  }
0x29: {  	[spmem:s2] =	stream.indirect.scatter.add.f32 [tilespmem:s15], [sflag:$0x2], $0x10, s19, s14, $0xb8;
	[tilespmem:$0x7F00] =	vst v63  }
0x2a: {  	_ =	swait.ge [sflag:s12], $0x800  }
0x2b: {  	s19 =	smov.u32 s21;
	[sflag:s12] =	ssyncset.done $0x0  }
0x2c: {  	s18 =	sshra.s32 s18, $0x2;
	[sflag:s12] =	ssyncadd.s32 $0xFFFFF800  }
0x2d: {  	[tilespmem:s15], [sflag:$0x1] =	stream.indirect.gather [hbm4b:s4+s14], $0x10, s18, s14, $0xb8;
	[tilespmem:$0x7F00] =	vst v63  }
0x2e: {  	_ =	swait.ge [sflag:s16], $0x800  }
0x2f: {  	[sflag:s16] =	ssyncset.done $0x0  }
0x30: {  	s18 =	sadd.s32 $0x2780, s18;
	[sflag:s16] =	ssyncadd.s32 $0xFFFFF800  }
0x31: {  	[spmem:s2] =	stream.indirect.scatter.add.f32 [tilespmem:s15], [sflag:$0x2], $0x10, s18, s14, $0xb8;
	[tilespmem:$0x7F00] =	vst v63  }
0x32: {  	_ =	swait.ge [sflag:s12], $0x800  }
0x33: {  	s17 =	sadd.s32 $0x1, s17;
	[sflag:s12] =	ssyncset.done $0x0  }
0x34: {  	p0 =	sne.s32 s17, s10;
	[sflag:s12] =	ssyncadd.s32 $0xFFFFF800  }
.Ltmp1:
0x35: {  	[bflag:$0x0] =	sbarrier.arrive $0xFFFF;
	(pc) =	sbr.rel @p0 .LBB2_1-.Ltmp1, $4  }
0x36: {  	[hbm:s9], [sflag:s6] =	dma.local [spmem:s11], $0x500  }
0x37: {  	_ =	swait.ge [sflag:s12], $0x500  }
0x38: {  	[sflag:s12] =	ssyncset.done $0x0  }
0x39: {  	[sflag:s12] =	ssyncadd.s32 $0xFFFFFB00  }
0x3a: {  	_ =	sfence.sel $0x180000  }
0x3b: {  	[bflag:$0x0] =	sbarrier.arrive $0xFFFF  }
0x3c: {  	p0 =	sne.s32 s0, $0x0;
	_ =	strace $0x9000004D  }
0x3d: {  	s0 =	sadd.s32 @!p0 $0x100000, s1;
	[bflag:$0x2] =	sbarrier.arrive $0xFFFF  }
0x3e: {  	[sflag:s0] =	ssyncadd.tile.s32 @!p0 $0x1;
	_ =	shalt  }
.Lfunc_end2:
_tile_overlayer_lowered:
.L_overlay_start_2:
0x3f: {  	(tag) =	ssettag $0x2  }
0x40: {  	s0 =	rddreg [dreg:$0x0];
	s2 =	stileid.u32  }
0x41: {  	s1 =	rddreg [dreg:$0x1];
	p0 =	sne.s32 s2, $0x0  }
0x42: {  	s3 =	rddreg [dreg:$0x2];
	[bflag:$0x3] =	sbarrier.arrive $0xFFFF;
	s2 =	simm.s32 @!p0 $0x1C02  }
0x43: {  	[timem:s3], [sflag:s2] =	dma.local @!p0 [hbm:s0], s1  }
0x44: {  	s0 =	simm.s32 @!p0 $0x2  }
0x45: {  	_ =	swait.ge @!p0 [sflag:s0], s1  }
0x46: {  	s1 =	ssub.s32 @!p0 $0x0, s1;
	[sflag:s0] =	ssyncset.done @!p0 $0x0  }
0x47: {  	[sflag:s0] =	ssyncadd.s32 @!p0 s1  }
0x48: {  	[bflag:$0x3] =	sbarrier.arrive $0xFFFF  }
0x49: {  	_ =	shalt  }

// kernel: kernel.9.cloned.1.call-start
scs
__scs_entry_jumppad:
0x0: {  	(pc) =	sbr.rel $0x88, $3  }
0x1: {  	(tag) =	ssettag $0x0;
	lr =	simm.s32 $0x1  }
0x2: {  	[smem:$0x3F9B] =	sst lr;
	_ =	strace $0xD0000000  }
0x3: {  	_ = 	snop  }
0x4: {  	_ = 	snop  }
0x5: {  	_ = 	snop  }
0x6: {  	_ = 	snop  }
0x7: {  	_ = 	snop  }
__scs_overlays_trampoline_lowered:
0x8: {  	[smem:$0x3FAA] =	sst s0  }
0x9: {  	[smem:$0x3FAB] =	sst s1  }
0xa: {  	[smem:$0x3FAC] =	sst s2  }
0xb: {  	[smem:$0x3FAD] =	sst s3  }
0xc: {  	[smem:$0x3FAE] =	sst s4  }
0xd: {  	[smem:$0x3FAF] =	sst s5  }
0xe: {  	[smem:$0x3FB0] =	sst s6  }
0xf: {  	[smem:$0x3FB1] =	sst s7  }
0x10: {  	[smem:$0x3FB2] =	sst s8  }
0x11: {  	[smem:$0x3FB3] =	sst s9;
	s0 =	simm.s32 @!p0 $0x0  }
0x12: {  	s1 =	sld [smem:$0x3F99];
	s0 =	simm.s32 @p0 $0x1  }
0x13: {  	[smem:$0x3FB4] =	sst s0;
	s0 =	simm.s32 @!p1 $0x0  }
0x14: {  	s2 =	sld [smem:$0x3F98];
	s0 =	simm.s32 @p1 $0x1  }
0x15: {  	[smem:$0x3FB5] =	sst s0;
	s0 =	simm.s32 @!p2 $0x0  }
0x16: {  	s3 =	sld [smem:$0x3FDB];
	s0 =	simm.s32 @p2 $0x1  }
0x17: {  	s4 =	simm.s32 $0x1BF5;
	[smem:$0x3FB7] =	sst s0  }
0x18: {  	s0 =	sld [smem:$0x3F9A];
	_ =	swait.ge [sflag:s4], $0x0  }
0x19: {  	s7 =	sld [smem:$0x3F9B]  }
0x1a: {  	s8 =	sadd.s32 $0xFFFFE003, lr  }
0x1b: {  	s9 =	sadd.s32 $0xFFFFFEF7, lr;
	s5 =	simm.s32 $0xFFFFFFFF;
	p2 =	slt.u32 s8, $0xFFFFF086  }
0x1c: {  	p1 =	slt.u32 s9, $0xF7A;
	s5 =	simm.s32 @!p2 $0x0  }
0x1d: {  	s5 =	simm.s32 @p1 $0x1;
	p0 =	seq.s32 s7, s2  }
0x1e: {  	s7 =	smul.u32 @!p0 $0xF7A, s2;
	p2 =	seq.s32 @!p0 s5, $0x0  }
0x1f: {  	s9 =	smul.u32 $0xF7A, s1;
	s8 =	simm.s32 @!p0 $0x1BF5;
	p2 =	por !p2, p0  }
0x20: {  	[sflag:s8] =	ssyncset.s32 @!p0 $0xFFFFF086;
	s6 =	sadd.s32 @!p0 s3, s7;
	s7 =	simm.s32 @!p0 $0x108  }
0x21: {  	s3 =	sadd.s32 s3, s9;
	s6 =	sadd.s32 @!p0 $0x88, s6;
	s7 =	simm.s32 @p2 $0x1082  }
0x22: {  	[simem:s7], [sflag:s8] =	dma.local @!p0 [hbm:s6], $0xF7A  }
0x23: {  	s9 =	sor.u32 $0xD0000000, s2;
	s6 =	simm.s32 $0x108;
	_ =	swait.ge @!p0 [sflag:s8], $0x0  }
0x24: {  	s3 =	sadd.s32 $0x88, s3;
	s6 =	simm.s32 @!p1 $0x1082;
	[sflag:s4] =	ssyncset.s32 $0xFFFFF086  }
0x25: {  	[simem:s6], [sflag:s4] =	dma.local [hbm:s3], $0xF7A  }
0x26: {  	[smem:$0x3F9B] =	sst s1;
	(tag) =	ssettag s2;
	_ =	strace s9  }
0x27: {  	s1 =	sld [smem:$0x3FAB]  }
0x28: {  	s2 =	sld [smem:$0x3FAC]  }
0x29: {  	s4 =	sld [smem:$0x3FAE]  }
0x2a: {  	p0 =	seq.s32 s5, $0x0;
	s5 =	sld [smem:$0x3FAF]  }
0x2b: {  	s6 =	sld [smem:$0x3FB0]  }
0x2c: {  	s7 =	sld [smem:$0x3FB1]  }
0x2d: {  	s3 =	simm.s32 $0x108;
	s8 =	sld [smem:$0x3FB2]  }
0x2e: {  	s3 =	simm.s32 @!p0 $0x1082;
	s9 =	sld [smem:$0x3FB3]  }
0x2f: {  	lr =	sadd.s32 s0, s3;
	s0 =	sld [smem:$0x3FAA]  }
0x30: {  	s3 =	sld [smem:$0x3FAD]  }
0x31: {  	[smem:$0x3FB6] =	sst s10  }
0x32: {  	s10 =	sld [smem:$0x3FB4];
	_ =	sdelay $0x3  }
0x33: {  	p0 =	seq.s32 s10, $0x1;
	s10 =	sld [smem:$0x3FB6];
	_ =	sdelay $0x3  }
0x34: {  	[smem:$0x3FB6] =	sst s10  }
0x35: {  	s10 =	sld [smem:$0x3FB5];
	_ =	sdelay $0x3  }
0x36: {  	p1 =	seq.s32 s10, $0x1;
	s10 =	sld [smem:$0x3FB6];
	_ =	sdelay $0x3  }
0x37: {  	[smem:$0x3FB6] =	sst s10  }
0x38: {  	s10 =	sld [smem:$0x3FB7]  }
0x39: {  	_ = 	snop;
	(pc) =	sbr.ind lr, $3  }
0x3a: {  	_ = 	snop  }
0x3b: {  	_ = 	snop  }
0x3c: {  	p2 =	seq.s32 s10, $0x1;
	s10 =	sld [smem:$0x3FB6]  }
0x3d: {  	_ =	shalt  }
0x3e: {  	_ =	shalt  }
0x3f: {  	_ =	shalt  }
0x40: {  	_ =	shalt  }
0x41: {  	_ =	shalt  }
0x42: {  	_ =	shalt  }
0x43: {  	_ =	shalt  }
0x44: {  	_ =	shalt  }
0x45: {  	_ =	shalt  }
0x46: {  	_ =	shalt  }
0x47: {  	_ =	shalt  }
0x48: {  	_ =	shalt  }
0x49: {  	_ =	shalt  }
0x4a: {  	_ =	shalt  }
0x4b: {  	_ =	shalt  }
0x4c: {  	_ =	shalt  }
0x4d: {  	_ =	shalt  }
0x4e: {  	_ =	shalt  }
0x4f: {  	_ =	shalt  }
0x50: {  	_ =	shalt  }
0x51: {  	_ =	shalt  }
0x52: {  	_ =	shalt  }
0x53: {  	_ =	shalt  }
0x54: {  	_ =	shalt  }
0x55: {  	_ =	shalt  }
0x56: {  	_ =	shalt  }
0x57: {  	_ =	shalt  }
0x58: {  	_ =	shalt  }
0x59: {  	_ =	shalt  }
0x5a: {  	_ =	shalt  }
0x5b: {  	_ =	shalt  }
0x5c: {  	_ =	shalt  }
0x5d: {  	_ =	shalt  }
0x5e: {  	_ =	shalt  }
0x5f: {  	_ =	shalt  }
0x60: {  	_ =	shalt  }
0x61: {  	_ =	shalt  }
0x62: {  	_ =	shalt  }
0x63: {  	_ =	shalt  }
0x64: {  	_ =	shalt  }
0x65: {  	_ =	shalt  }
0x66: {  	_ =	shalt  }
0x67: {  	_ =	shalt  }
0x68: {  	_ =	shalt  }
0x69: {  	_ =	shalt  }
0x6a: {  	_ =	shalt  }
0x6b: {  	_ =	shalt  }
0x6c: {  	_ =	shalt  }
0x6d: {  	_ =	shalt  }
0x6e: {  	_ =	shalt  }
0x6f: {  	_ =	shalt  }
0x70: {  	_ =	shalt  }
0x71: {  	_ =	shalt  }
0x72: {  	_ =	shalt  }
0x73: {  	_ =	shalt  }
0x74: {  	_ =	shalt  }
0x75: {  	_ =	shalt  }
0x76: {  	_ =	shalt  }
0x77: {  	_ =	shalt  }
0x78: {  	_ =	shalt  }
0x79: {  	_ =	shalt  }
0x7a: {  	_ =	shalt  }
0x7b: {  	_ =	shalt  }
0x7c: {  	_ =	shalt  }
0x7d: {  	_ =	shalt  }
0x7e: {  	_ =	shalt  }
0x7f: {  	_ =	shalt  }
0x80: {  	_ =	shalt  }
0x81: {  	_ =	shalt  }
0x82: {  	_ =	shalt  }
0x83: {  	_ =	shalt  }
0x84: {  	_ =	shalt  }
0x85: {  	_ =	shalt  }
0x86: {  	_ =	shalt  }
0x87: {  	_ =	shalt  }
.Lfunc_end0:
.L_simem_size_0:
called_computation_lowered:
.L_overlay_start_0:
0x88: {  	s2 =	sld [smem:$0x3FD9]  }
0x89: {  	s3 =	sld [smem:$0x3FFE];
	_ =	sdelay $0x1  }
0x8a: {  	s1 =	srdreg.scid  }
0x8b: {  	s0 =	sand.u32 $0x1, s1  }
0x8c: {  	s17 =	sshll.u32 s0, $0xA;
	s2 =	sadd.s32 s3, s2  }
0x8d: {  	s2 =	sadd.s32 s2, s17  }
0x8e: {  	[smem:$0x3FC2] =	sst s2  }
0x8f: {  	_ = 	snop  }
0x90: {  	s2 =	sld [smem:$0x3FD0];
	(tm) =	ssettm $0x1  }
0x91: {  	s18 =	sld [smem:$0x3FFB];
	_ =	sdelay $0x3  }
0x92: {  	_ =	strace s18  }
0x93: {  	s3 =	sld [smem:$0x3FFC];
	_ =	sdelay $0x3  }
0x94: {  	_ =	strace s3  }
0x95: {  	s3 =	sld [smem:$0x3FFD];
	_ =	sdelay $0x3  }
0x96: {  	_ =	strace s3  }
0x97: {  	_ =	strace $0x8FFFFFFF  }
0x98: {  	s19 =	sld [smem:$0x3FDB];
	_ =	sdelay $0x1  }
0x99: {  	s4 =	simm.s32 $_scs_section_size  }
0x9a: {  	s5 =	simm.s32 $_size__tile_overlayer_lowered;
	s6 =	simm.s32 $_tile_overlayer_lowered  }
0x9b: {  	s22 =	simm.s32 $0x1BFF;
	s21 =	sshll.u32 s6, $0x1;
	s3 =	sadd.s32 s4, s19  }
0x9c: {  	s7 =	simm.s32 $0x0;
	s20 =	sshll.u32 s5, $0x1;
	s5 =	sadd.s32 s21, s3  }
0x9d: {  	[timem:s7], [sflag:s22] =	dma.local [hbm:s5], s20  }
0x9e: {  	_ =	swait.ge [sflag:s22], s20  }
0x9f: {  	s4 =	ssub.s32 $0x0, s20;
	[sflag:s22] =	ssyncset.done $0x0  }
0xa0: {  	[sflag:s22] =	ssyncadd.s32 s4;
	_ =	sdelay $0x1  }
0xa1: {  	s23 =	simm.s32 $0x1B8B  }
0xa2: {  	_ =	swait.ge [sflag:s23], $0x1  }
0xa3: {  	[sflag:s23] =	ssyncset.done $0x0  }
0xa4: {  	s25 =	simm.s32 $0x1B8E;
	s24 =	sld [smem:$0x3FFE];
	[sflag:s23] =	ssyncadd.s32 $0xFFFFFFFF  }
0xa5: {  	s26 =	simm.s32 $execute0_lowered;
	[smem:$0x3FD2] =	sst s25  }
0xa6: {  	s5 =	sshll.u32 s26, $0x1;
	_ =	strace $0x80000046;
	[dreg:$0x1] =	wrdreg $0xFFFFFFFF  }
0xa7: {  	s28 =	simm.s32 $_size_execute0_lowered;
	s3 =	sadd.s32 s3, s5;
	[dreg:$0x0] =	wrdreg $0x0  }
0xa8: {  	s5 =	sshll.u32 s28, $0x1;
	[dreg:$0x2] =	wrdreg s3  }
0xa9: {  	[dreg:$0x3] =	wrdreg s5  }
0xaa: {  	[dreg:$0x4] =	wrdreg $0xC0  }
0xab: {  	_ =	task [dreg:s7], $0x5FFFF  }
0xac: {  	[dreg:$0x1] =	wrdreg $0xFFFFFFFF  }
0xad: {  	[dreg:$0x0] =	wrdreg $0x60  }
0xae: {  	[dreg:$0x2] =	wrdreg s2  }
0xaf: {  	[dreg:$0x3] =	wrdreg s24  }
0xb0: {  	[dreg:$0x4] =	wrdreg $0x28800  }
0xb1: {  	[dreg:$0x5] =	wrdreg $0x9  }
0xb2: {  	_ =	task.clear_ibuf [dreg:s7], $0x6FFFF;
	_ =	strace $0x90000046  }
0xb3: {  	s29 =	simm.s32 $0x9;
	_ =	strace $0x80000048  }
0xb4: {  	_ =	swait.ge [sflag:s29], $0x1  }
0xb5: {  	[sflag:s29] =	ssyncadd.s32 $0xFFFFFFFF  }
0xb6: {  	_ =	strace $0x90000048  }
0xb7: {  	_ =	sfence  }
0xb8: {  	s30 =	sld [smem:$0x0];
	_ =	sdelay $0x2  }
0xb9: {  	s31 =	sshll.u32 s1, $0xD;
	s1 =	sshrl.u32 s1, $0x2  }
0xba: {  	s3 =	sand.u32 $0x4000, s31;
	s1 =	sadd.s32 s1, s30  }
0xbb: {  	s0 =	sor.u32 s3, s0;
	s1 =	sshll.u32 s1, $0x11  }
0xbc: {  	s0 =	sor.u32 s1, s0  }
0xbd: {  	s0 =	sadd.s32 $0x8F2B, s0  }
0xbe: {  	[sflag:s0] =	ssyncadd.remote.s32 $0x1  }
0xbf: {  	_ =	sfence.sel $0xFFFF  }
0xc0: {  	[dreg:$0x0] =	wrdreg $0xFFFFFFFF;
	(pc) =	sbr.abs _section_cstart, $3  }
0xc1: {  	[dreg:$0x1] =	wrdreg $0xFFFFFFFF  }
0xc2: {  	_ =	task.clear_ibuf [dreg:s7], $0x2FFFF;
	_ =	strace $0x9FFFFFFF  }
0xc3: {  	(tm) =	ssettm $0x7FFFFFFF  }
tec
execute0_lowered:
.L_overlay_start_1:
0x0: {  	(tag) =	ssettag $0x1  }
0x1: {  	s4 =	rddreg [dreg:$0x0]  }
0x2: {  	s5 =	rddreg [dreg:$0x1]  }
0x3: {  	s2 =	rddreg [dreg:$0x2]  }
0x4: {  	s0 =	rddreg [dreg:$0x3];
	s1 =	stileid.u32  }
0x5: {  	s6 =	srdreg.scid;
	s3 =	simm.s32 $0x0;
	s12 =	simm.s32 $0x2800  }
0x6: {  	s13 =	simm.s32 $0x0;
	s7 =	smul.u32 $0x280, s1;
	s6 =	sand.u32 $0x1, s6  }
0x7: {  	[smem:$0x7FF] =	sst s3;
	s31 =	sshll.u32 s1, $0x6;
	s8 =	smul.u32 $0x2800, s6  }
0x8: {  	_ =	strace $0x80000047;
	s10 =	sshll.u32 s6, $0x4;
	s6 =	ssub.s32 $0x2, s6  }
0x9: {  	s9 =	sshrl.u32 s7, $0x3;
	s10 =	sor.u32 s1, s10;
	s11 =	sshrl.u32 s6, $0x1  }
0xa: {  	s30 =	sadd.s32 s7, s2;
	s8 =	sadd.s32 s7, s8;
	s10 =	smul.u32 $0x500, s10  }
0xb: {  	s9 =	sadd.s32 s9, s5;
	s11 =	ssub.s32 s6, s11;
	s8 =	sshrl.u32 s8, $0x3  }
0xc: {  	s7 =	smax.u32 s11, $0x1;
	s11 =	simm.s32 $0x80;
	s8 =	sadd.s32 s8, s5  }
0xd: {  	s4 =	sadd.s32 s4, s10;
	s5 =	sadd.s32 $0x15C00, s9;
	s9 =	sor.u32 $0x1C01, s31  }
0xe: {  	v0 =	vimm.f32 $1.000000000e+00;
	s10 =	sshrl.u32 s30, $0x3;
	s6 =	sadd.s32 $0x16200, s8;
	s8 =	simm.s32 $0x1  }
.LBB2_1:
0xf: {  	[tilespmem:s3], [sflag:$0x1] =	stream.linear.gather [hbm4b:s4+s3], $0x2780, $0x38;
	[tilespmem:$0x2B00] =	vst v63  }
0x10: {  	_ =	swait.ge [sflag:s8], $0x2780  }
0x11: {  	[sflag:s8] =	ssyncset.done $0x0  }
0x12: {  	[sflag:s8] =	ssyncadd.s32 $0xFFFFD880  }
0x13: {  	[tilespmem:$0x2800] =	vst v0  }
0x14: {  	[tilespmem:$0x2810] =	vst v0  }
0x15: {  	[tilespmem:$0x2820] =	vst v0  }
0x16: {  	[tilespmem:$0x2830] =	vst v0  }
0x17: {  	[tilespmem:$0x2840] =	vst v0  }
0x18: {  	[tilespmem:$0x2850] =	vst v0  }
0x19: {  	[tilespmem:$0x2860] =	vst v0  }
0x1a: {  	[tilespmem:$0x2870] =	vst v0  }
0x1b: {  	[spmem:s10], [sflag:s9] =	dma.local [hbm:s5], $0x50  }
0x1c: {  	_ =	swait.ge [sflag:s8], $0x50  }
0x1d: {  	[sflag:s8] =	ssyncset.done $0x0  }
0x1e: {  	[sflag:s8] =	ssyncadd.s32 $0xFFFFFFB0  }
0x1f: {  	s14 =	simm.s32 $0x0;
	[bflag:$0x0] =	sbarrier.arrive $0xFFFF  }
0x20: {  	[spmem:s2] =	stream.indirect.scatter.add.f32 [tilespmem:s12], [sflag:$0x1], $0x1, s14, s11, $0xb8;
	[tilespmem:$0x2B00] =	vst v63  }
0x21: {  	_ =	swait.ge [sflag:s8], $0x80  }
0x22: {  	s14 =	simm.s32 $0x200;
	[sflag:s8] =	ssyncset.done $0x0  }
.LBB2_2:
0x23: {  	s15 =	sshra.s32 s14, $0x2;
	[sflag:s8] =	ssyncadd.s32 $0xFFFFFF80;
	p0 =	sne.s32 s14, $0x9C00  }
0x24: {  	[spmem:s2] =	stream.indirect.scatter.add.f32 [tilespmem:s12], [sflag:$0x1], $0x1, s15, s11, $0xb8;
	[tilespmem:$0x2B00] =	vst v63  }
.Ltmp0:
0x25: {  	_ = 	snop;
	(pc) =	sbr.rel @p0 .LBB2_2-.Ltmp0, $4  }
0x26: {  	_ = 	snop  }
0x27: {  	s14 =	sadd.s32 $0x200, s14  }
0x28: {  	_ =	swait.ge [sflag:s8], $0x80  }
0x29: {  	[sflag:s8] =	ssyncset.done $0x0  }
0x2a: {  	s13 =	sadd.s32 $0x1, s13  }
0x2b: {  	[sflag:s8] =	ssyncadd.s32 $0xFFFFFF80;
	p0 =	sne.s32 s13, s7  }
.Ltmp1:
0x2c: {  	[bflag:$0x0] =	sbarrier.arrive $0xFFFF;
	(pc) =	sbr.rel @p0 .LBB2_1-.Ltmp1, $4  }
0x2d: {  	[hbm:s6], [sflag:s9] =	dma.local [spmem:s10], $0x50  }
0x2e: {  	_ =	swait.ge [sflag:s8], $0x50  }
0x2f: {  	[sflag:s8] =	ssyncset.done $0x0  }
0x30: {  	[sflag:s8] =	ssyncadd.s32 $0xFFFFFFB0  }
0x31: {  	_ =	sfence.sel $0x180000  }
0x32: {  	[bflag:$0x0] =	sbarrier.arrive $0xFFFF  }
0x33: {  	p0 =	sne.s32 s1, $0x0;
	_ =	strace $0x90000047  }
0x34: {  	s0 =	sadd.s32 @!p0 $0x100000, s0;
	[bflag:$0x2] =	sbarrier.arrive $0xFFFF  }
0x35: {  	[sflag:s0] =	ssyncadd.tile.s32 @!p0 $0x1;
	_ =	shalt  }
.Lfunc_end2:
_tile_overlayer_lowered:
.L_overlay_start_2:
0x36: {  	(tag) =	ssettag $0x2  }
0x37: {  	s0 =	rddreg [dreg:$0x0];
	s2 =	stileid.u32  }
0x38: {  	s1 =	rddreg [dreg:$0x1];
	p0 =	sne.s32 s2, $0x0  }
0x39: {  	s3 =	rddreg [dreg:$0x2];
	[bflag:$0x3] =	sbarrier.arrive $0xFFFF;
	s2 =	simm.s32 @!p0 $0x1C01  }
0x3a: {  	[timem:s3], [sflag:s2] =	dma.local @!p0 [hbm:s0], s1  }
0x3b: {  	s0 =	simm.s32 @!p0 $0x1  }
0x3c: {  	_ =	swait.ge @!p0 [sflag:s0], s1  }
0x3d: {  	s1 =	ssub.s32 @!p0 $0x0, s1;
	[sflag:s0] =	ssyncset.done @!p0 $0x0  }
0x3e: {  	[sflag:s0] =	ssyncadd.s32 @!p0 s1  }
0x3f: {  	[bflag:$0x3] =	sbarrier.arrive $0xFFFF  }
0x40: {  	_ =	shalt  }

</sc_bundles>
